<compile_context>
chip_gen: v7x
topology: tpu7x:2x2x1
jax: 0.10.2.dev20260603
libtpu: 0.0.44.dev20260713+nightly
codegen_flags: <defaults>
</compile_context>

<pallas_src>
import functools

import jax
import jax.numpy as jnp
from jax import lax
from jax.experimental import pallas as pl
from jax.experimental.pallas import tpu as pltpu
from jax.experimental.pallas import tpu_sc as plsc

INV_SQRT_2 = 0.5 ** 0.5

_NC = 2
_NS = 16
_BE = 128
_W = 128
_K = 3
_CH = 16


def _sc_aggregate(N, SLAB, NB, xr, packed):
    mesh = plsc.VectorSubcoreMesh(
        core_axis_name="c", subcore_axis_name="s", num_cores=_NC)
    rows_per_tile = SLAB // _NS
    zrows = 32
    nvec = _CH * _BE // 16

    @functools.partial(
        pl.kernel,
        out_type=jax.ShapeDtypeStruct((_NC * _K * SLAB, _W), jnp.float32),
        mesh=mesh,
        scratch_types=[
            pltpu.VMEM((_CH, _BE), jnp.int32),
            pltpu.VMEM((_CH, _BE), jnp.int32),
            pltpu.VMEM((_BE, _W), jnp.float32),
            pltpu.VMEM((_BE, _W), jnp.float32),
            pltpu.VMEM((zrows, _W), jnp.float32),
            pltpu.VMEM_SHARED((SLAB, _W), jnp.float32),
            pltpu.SemaphoreType.DMA,
            pltpu.SemaphoreType.DMA,
        ],
    )
    def agg_kernel(xr_hbm, packed_hbm, out_hbm,
                   gi, di, buf0, buf1, zbuf, slab, sem0, sem1):
        cid = lax.axis_index("c")
        s = lax.axis_index("s")
        w = cid * _NS + s
        nz = _W // 16
        ncol = _BE // 16

        def zero_zbuf(i, _):
            zbuf[i // nz, pl.ds((i % nz) * 16, 16)] = jnp.zeros((16,), jnp.float32)
            return 0
        lax.fori_loop(0, zrows * nz, zero_zbuf, 0)

        def zero_slab(k, _):
            pltpu.sync_copy(zbuf, slab.at[pl.ds(s * rows_per_tile + k * zrows, zrows)])
            return 0
        lax.fori_loop(0, rows_per_tile // zrows, zero_slab, 0)

        def accumulate(p):
            def chunk_step(c, _):
                pltpu.sync_copy(
                    packed_hbm.at[pl.ds(w * NB + c * _CH, _CH)], gi)

                def unpack(i, _):
                    r, cc = i // ncol, (i % ncol) * 16
                    v = gi[r, pl.ds(cc, 16)]
                    di[r, pl.ds(cc, 16)] = v & 0xFFFF
                    gi[r, pl.ds(cc, 16)] = (
                        lax.shift_right_logical(v, 16) + p * N)
                    return 0
                lax.fori_loop(0, nvec, unpack, 0)

                pltpu.async_copy(xr_hbm.at[gi.at[0]], buf0, sem0)

                def step(jj, _):
                    j0 = jj * 2
                    pltpu.async_copy(xr_hbm.at[gi.at[j0 + 1]], buf1, sem1)
                    pltpu.make_async_copy(xr_hbm.at[gi.at[j0]], buf0, sem0).wait()
                    pltpu.sync_copy(buf0, slab.at[di.at[j0]], add=True)

                    @pl.when(jj < _CH // 2 - 1)
                    def _():
                        pltpu.async_copy(xr_hbm.at[gi.at[j0 + 2]], buf0, sem0)

                    pltpu.make_async_copy(xr_hbm.at[gi.at[j0 + 1]], buf1, sem1).wait()
                    pltpu.sync_copy(buf1, slab.at[di.at[j0 + 1]], add=True)
                    return 0
                lax.fori_loop(0, _CH // 2, step, 0)
                return 0
            lax.fori_loop(0, NB // _CH, chunk_step, 0)

        def out_copy(p, rezero):
            def chunk(k, _):
                r0 = s * rows_per_tile + k * _BE
                pltpu.sync_copy(slab.at[pl.ds(r0, _BE)], buf0)
                pltpu.sync_copy(
                    buf0,
                    out_hbm.at[pl.ds((cid * _K + p) * SLAB + r0, _BE)])
                if rezero:
                    def z(q, _):
                        pltpu.sync_copy(
                            zbuf, slab.at[pl.ds(r0 + q * zrows, zrows)])
                        return 0
                    lax.fori_loop(0, _BE // zrows, z, 0)
                return 0
            lax.fori_loop(0, rows_per_tile // _BE, chunk, 0)

        plsc.subcore_barrier()
        for p in range(_K):
            accumulate(p)
            plsc.subcore_barrier()
            out_copy(p, p + 1 < _K)
            if p + 1 < _K:
                plsc.subcore_barrier()

    return agg_kernel(xr, packed)


def _tc_combine(N, xt3, agg3, norm2d, WnT, WeT):
    BN = 2000

    def body(x_ref, a0_ref, a1_ref, nrm_ref, wn_ref, we_ref, o_ref):
        f32 = jnp.float32
        y = jnp.dot(x_ref[0], wn_ref[...], preferred_element_type=f32)
        a = jnp.dot(a0_ref[0] + a1_ref[0], we_ref[...],
                    preferred_element_type=f32)
        o_ref[0] = (y + nrm_ref[...] * a) * INV_SQRT_2

    wspec = pl.BlockSpec((_W, _W), lambda k, j: (0, 0))
    return pl.pallas_call(
        body,
        grid=(_K, N // BN),
        in_specs=[
            pl.BlockSpec((1, BN, _W), lambda k, j: (k, j, 0)),
            pl.BlockSpec((1, BN, _W), lambda k, j: (k, j, 0)),
            pl.BlockSpec((1, BN, _W), lambda k, j: (_K + k, j, 0)),
            pl.BlockSpec((BN, 1), lambda k, j: (j, 0)),
            wspec, wspec,
        ],
        out_specs=pl.BlockSpec((1, BN, _W), lambda k, j: (k, j, 0)),
        out_shape=jax.ShapeDtypeStruct((_K, N, _W), jnp.float32),
    )(xt3, agg3, agg3, norm2d, WnT, WeT)


def kernel(x, src, dst, norm_coeff, W_node, W_edge):
    B, N, DI, K = x.shape
    E = src.shape[0]

    unit = _NC * _NS * _BE * _CH
    E_pad = -(-E // unit) * unit
    pad = E_pad - E
    SLAB = ((N + 1 + _NS * _BE - 1) // (_NS * _BE)) * (_NS * _BE)

    spread = jnp.arange(pad, dtype=jnp.int32)
    src_p = jnp.concatenate([src, spread % N])
    dst_p = jnp.concatenate([dst, N + spread % (SLAB - N)])
    packed = ((src_p << 16) | dst_p).reshape(-1, _BE)
    NB = packed.shape[0] // (_NC * _NS)

    xt = jnp.transpose(x, (0, 3, 1, 2)).reshape(K * N, DI)
    agg = _sc_aggregate(N, SLAB, NB, xt, packed)

    y = _tc_combine(N, xt.reshape(K, N, DI), agg.reshape(_NC * K, SLAB, _W),
                    norm_coeff.reshape(N, 1), W_node.T, W_edge.T)
    return jnp.transpose(y, (1, 2, 0)).reshape(B, N, DI, K)

# --- scband reference (transcript-rebuilt; emitter-appended) ---
"""Pipeline reference for scband-vec-nodes-conv-22651657519347 (READ-ONLY COPY).

The authoritative reference and input builder live on the scoring server;
editing this copy changes nothing except your own understanding.
"""

import jax, jax.numpy as jnp
import numpy as np

INV_SQRT_2 = 0.5 ** 0.5

def setup_inputs(seed: int = 0) -> dict:
    key = jax.random.key(seed)
    ks = jax.random.split(key, 6)
    B, N, E, DI, DO = 1, 10000, 320000, 128, 128
    x = jax.random.normal(ks[0], (B, N, DI, 3), dtype=jnp.float32)
    src = jax.random.randint(ks[1], (E,), 0, N, dtype=jnp.int32)
    dst = jax.random.randint(ks[2], (E,), 0, N, dtype=jnp.int32)
    norm_coeff = jax.random.uniform(ks[3], (N,), dtype=jnp.float32)
    W_node = jax.random.normal(ks[4], (DO, DI), dtype=jnp.float32)
    W_edge = jax.random.normal(ks[5], (DO, DI), dtype=jnp.float32)
    return {"x": x, "src": src, "dst": dst, "norm_coeff": norm_coeff, "W_node": W_node, "W_edge": W_edge}

def reference(x, src, dst, norm_coeff, W_node, W_edge):
    # VecLinear: einsum('oi,...ik->...ok')
    y_node = jnp.einsum('oi,bnik->bnok', W_node, x)
    y_edge = jnp.einsum('oi,bnik->bnok', W_edge, x)
    # gather messages along edges: y_edge[:, src] -> (B, E, DO, 3)
    msgs = y_edge[:, src]
    # scatter-add over dst into (B, N, DO, 3)
    agg = jnp.zeros_like(y_node).at[:, dst].add(msgs)
    ans = y_node + norm_coeff[None, :, None, None] * agg
    return ans * INV_SQRT_2

if __name__ == "__main__":
    import jax
    _d = setup_inputs()
    print(jax.jit(kernel)(*tuple(_d.values())))

</pallas_src>

<mosaic_0001>
#map = affine_map<(d0, d1) -> (0, 0)>
module attributes {stable_mosaic.version = 14 : i64} {
  func.func @agg_kernel(%arg0: i32, %arg1: i32, %arg2: memref<30000x128xf32, #tpu.memory_space<hbm>>, %arg3: memref<2560x128xi32, #tpu.memory_space<hbm>>, %arg4: memref<61440x128xf32, #tpu.memory_space<hbm>>, %arg5: memref<16x128xi32, #tpu.memory_space<vmem>>, %arg6: memref<16x128xi32, #tpu.memory_space<vmem>>, %arg7: memref<128x128xf32, #tpu.memory_space<vmem>>, %arg8: memref<128x128xf32, #tpu.memory_space<vmem>>, %arg9: memref<32x128xf32, #tpu.memory_space<vmem>>, %arg10: memref<10240x128xf32, #tpu.memory_space<vmem_shared>>, %arg11: memref<!tpu.dma_semaphore, #tpu.memory_space<semaphore_mem>>, %arg12: memref<!tpu.dma_semaphore, #tpu.memory_space<semaphore_mem>>) attributes {dimension_semantics = [#tpu.dimension_semantics<core_parallel>, #tpu.dimension_semantics<subcore_parallel>], iteration_bounds = array<i64: 2, 16>, scalar_prefetch = 0 : i64, scratch_operands = 8 : i64, tpu.core_type = #tpu.core_type<sc_vector_subcore>, window_params = [{transform_indices = #map}, {transform_indices = #map}, {transform_indices = #map}]} {
    %mul3A = arith.constant 16 : i32
    %mul3A_0 = arith.muli %arg0, %mul3A : i32
    %add3A = arith.addi %mul3A_0, %arg1 : i32
    %scan3A = arith.constant 0 : i32
    %scan3A_1 = arith.constant 0 : i32
    %scan3A_2 = arith.constant 256 : i32
    %scan3A_3 = arith.addi %scan3A_1, %scan3A_2 : i32
    %scan3A_4 = arith.constant 1 : i32
    %scan3A_5 = scf.for %scan3A_61 = %scan3A_1 to %scan3A_3 step %scan3A_4 iter_args(%scan3A_62 = %scan3A) -> (i32)  : i32 {
      %broadcast_in_dim3A = arith.constant 0.000000e+00 : f32
      %broadcast_in_dim3A_63 = vector.broadcast %broadcast_in_dim3A : f32 to vector<16xf32>
      %jit3A = arith.constant 8 : i32
      %div3A = arith.divsi %scan3A_61, %jit3A : i32
      %sign3A = arith.constant 0 : i32
      %sign3A_64 = arith.cmpi sgt, %scan3A_61, %sign3A : i32
      %sign3A_65 = arith.extui %sign3A_64 : i1 to i32
      %sign3A_66 = arith.constant 0 : i32
      %sign3A_67 = arith.cmpi slt, %scan3A_61, %sign3A_66 : i32
      %sign3A_68 = arith.extui %sign3A_67 : i1 to i32
      %sign3A_69 = arith.subi %sign3A_65, %sign3A_68 : i32
      %sign3A_70 = arith.constant 0 : i32
      %sign3A_71 = arith.cmpi sgt, %jit3A, %sign3A_70 : i32
      %sign3A_72 = arith.extui %sign3A_71 : i1 to i32
      %sign3A_73 = arith.constant 0 : i32
      %sign3A_74 = arith.cmpi slt, %jit3A, %sign3A_73 : i32
      %sign3A_75 = arith.extui %sign3A_74 : i1 to i32
      %sign3A_76 = arith.subi %sign3A_72, %sign3A_75 : i32
      %ne3A = arith.cmpi ne, %sign3A_69, %sign3A_76 : i32
      %rem3A = arith.remsi %scan3A_61, %jit3A : i32
      %ne3A_77 = arith.constant 0 : i32
      %ne3A_78 = arith.cmpi ne, %rem3A, %ne3A_77 : i32
      %and3A = arith.andi %ne3A, %ne3A_78 : i1
      %sub3A = arith.constant 1 : i32
      %sub3A_79 = arith.subi %div3A, %sub3A : i32
      %select_n3A = arith.select %and3A, %sub3A_79, %div3A : i32
      %jit3A_80 = arith.constant 8 : i32
      %eq3A = arith.constant 0 : i32
      %eq3A_81 = arith.cmpi eq, %jit3A_80, %eq3A : i32
      %jit3A_82 = arith.constant 1 : i32
      %select_n3A_83 = arith.select %eq3A_81, %jit3A_82, %jit3A_80 : i32
      %rem3A_84 = arith.remsi %scan3A_61, %select_n3A_83 : i32
      %ne3A_85 = arith.constant 0 : i32
      %ne3A_86 = arith.cmpi ne, %rem3A_84, %ne3A_85 : i32
      %lt3A = arith.constant 0 : i32
      %lt3A_87 = arith.cmpi slt, %rem3A_84, %lt3A : i32
      %lt3A_88 = arith.constant 0 : i32
      %lt3A_89 = arith.cmpi slt, %select_n3A_83, %lt3A_88 : i32
      %ne3A_90 = arith.xori %lt3A_87, %lt3A_89 : i1
      %and3A_91 = arith.andi %ne3A_90, %ne3A_86 : i1
      %add3A_92 = arith.addi %rem3A_84, %select_n3A_83 : i32
      %select_n3A_93 = arith.select %and3A_91, %add3A_92, %rem3A_84 : i32
      %mul3A_94 = arith.constant 16 : i32
      %mul3A_95 = arith.muli %select_n3A_93, %mul3A_94 : i32
      %swap3A = arith.index_cast %select_n3A : i32 to index
      %swap3A_96 = arith.index_cast %mul3A_95 : i32 to index
      %swap3A_97 = tpu.vector_load %arg9[%swap3A, %swap3A_96] {strides = array<i32>} : memref<32x128xf32, #tpu.memory_space<vmem>>, vector<1x16xf32>,
      %swap3A_98 = vector.shape_cast %swap3A_97 : vector<1x16xf32> to vector<16xf32>
      %swap3A_99 = vector.shape_cast %broadcast_in_dim3A_63 : vector<16xf32> to vector<1x16xf32>
      tpu.vector_store %arg9[%swap3A, %swap3A_96], %swap3A_99 {strides = array<i32>} : memref<32x128xf32, #tpu.memory_space<vmem>>, vector<1x16xf32>,
      %scan3A_100 = arith.constant 0 : i32
      scf.yield %scan3A_100 : i32
    }
    %scan3A_6 = arith.constant 256 : i32
    %scan3A_7 = arith.constant 0 : i32
    %scan3A_8 = arith.constant 0 : i32
    %scan3A_9 = arith.constant 20 : i32
    %scan3A_10 = arith.addi %scan3A_8, %scan3A_9 : i32
    %scan3A_11 = arith.constant 1 : i32
    %scan3A_12 = scf.for %scan3A_61 = %scan3A_8 to %scan3A_10 step %scan3A_11 iter_args(%scan3A_62 = %scan3A_7) -> (i32)  : i32 {
      %mul3A_63 = arith.constant 640 : i32
      %mul3A_64 = arith.muli %arg1, %mul3A_63 : i32
      %mul3A_65 = arith.constant 32 : i32
      %mul3A_66 = arith.muli %scan3A_61, %mul3A_65 : i32
      %add3A_67 = arith.addi %mul3A_64, %mul3A_66 : i32
      "tpu.region"() ({
        %run_scoped3A = tpu.sem_alloc : memref<!tpu.dma_semaphore, #tpu.memory_space<semaphore_mem>>
        %dma_start3A = arith.constant 0 : i32
        %dma_start3A_69 = tpu.memref_slice %arg10[%add3A_67, %dma_start3A] : memref<10240x128xf32, #tpu.memory_space<vmem_shared>> -> memref<32x128xf32, #tpu.memory_space<vmem_shared>>
        %dma_start3A_70 = arith.constant 0 : i32
        %dma_start3A_71 = tpu.memref_slice %arg10[%add3A_67, %dma_start3A_70] : memref<10240x128xf32, #tpu.memory_space<vmem_shared>> -> memref<32x128xf32, #tpu.memory_space<vmem_shared>>
        tpu.enqueue_dma source(%arg9 : memref<32x128xf32, #tpu.memory_space<vmem>>) target(%dma_start3A_71 : memref<32x128xf32, #tpu.memory_space<vmem_shared>>) target_semaphore(%run_scoped3A : memref<!tpu.dma_semaphore, #tpu.memory_space<semaphore_mem>>)
        %dma_wait3A = arith.constant 0 : i32
        %dma_wait3A_72 = tpu.memref_slice %arg10[%add3A_67, %dma_wait3A] : memref<10240x128xf32, #tpu.memory_space<vmem_shared>> -> memref<32x128xf32, #tpu.memory_space<vmem_shared>>
        %dma_wait3A_73 = arith.constant 0 : i32
        %dma_wait3A_74 = tpu.memref_slice %arg10[%add3A_67, %dma_wait3A_73] : memref<10240x128xf32, #tpu.memory_space<vmem_shared>> -> memref<32x128xf32, #tpu.memory_space<vmem_shared>>
        tpu.wait_dma2 semaphore(%run_scoped3A : memref<!tpu.dma_semaphore, #tpu.memory_space<semaphore_mem>>) src(%arg9 : memref<32x128xf32, #tpu.memory_space<vmem>>) dst(%dma_wait3A_74 : memref<32x128xf32, #tpu.memory_space<vmem_shared>>)
        tpu.yield
      }) : () -> ()
      %scan3A_68 = arith.constant 0 : i32
      scf.yield %scan3A_68 : i32
    }
    %scan3A_13 = arith.constant 20 : i32
    %barrier3A = arith.constant 0 : index
    tpu.barrier barrier_id(%barrier3A)
    %scan3A_14 = arith.constant 0 : i32
    %scan3A_15 = arith.constant 0 : i32
    %scan3A_16 = arith.constant 5 : i32
    %scan3A_17 = arith.addi %scan3A_15, %scan3A_16 : i32
    %scan3A_18 = arith.constant 1 : i32
    %scan3A_19 = scf.for %scan3A_61 = %scan3A_15 to %scan3A_17 step %scan3A_18 iter_args(%scan3A_62 = %scan3A_14) -> (i32)  : i32 {
      %mul3A_63 = arith.constant 80 : i32
      %mul3A_64 = arith.muli %add3A, %mul3A_63 : i32
      %mul3A_65 = arith.constant 16 : i32
      %mul3A_66 = arith.muli %scan3A_61, %mul3A_65 : i32
      %add3A_67 = arith.addi %mul3A_64, %mul3A_66 : i32
      "tpu.region"() ({
        %run_scoped3A = tpu.sem_alloc : memref<!tpu.dma_semaphore, #tpu.memory_space<semaphore_mem>>
        %dma_start3A_89 = arith.constant 0 : i32
        %dma_start3A_90 = tpu.memref_slice %arg3[%add3A_67, %dma_start3A_89] : memref<2560x128xi32, #tpu.memory_space<hbm>> -> memref<16x128xi32, #tpu.memory_space<hbm>>
        %dma_start3A_91 = arith.constant 0 : i32
        %dma_start3A_92 = tpu.memref_slice %arg3[%add3A_67, %dma_start3A_91] : memref<2560x128xi32, #tpu.memory_space<hbm>> -> memref<16x128xi32, #tpu.memory_space<hbm>>
        tpu.enqueue_dma source(%dma_start3A_92 : memref<16x128xi32, #tpu.memory_space<hbm>>) target(%arg5 : memref<16x128xi32, #tpu.memory_space<vmem>>) target_semaphore(%run_scoped3A : memref<!tpu.dma_semaphore, #tpu.memory_space<semaphore_mem>>)
        %dma_wait3A = arith.constant 0 : i32
        %dma_wait3A_93 = tpu.memref_slice %arg3[%add3A_67, %dma_wait3A] : memref<2560x128xi32, #tpu.memory_space<hbm>> -> memref<16x128xi32, #tpu.memory_space<hbm>>
        %dma_wait3A_94 = arith.constant 0 : i32
        %dma_wait3A_95 = tpu.memref_slice %arg3[%add3A_67, %dma_wait3A_94] : memref<2560x128xi32, #tpu.memory_space<hbm>> -> memref<16x128xi32, #tpu.memory_space<hbm>>
        tpu.wait_dma2 semaphore(%run_scoped3A : memref<!tpu.dma_semaphore, #tpu.memory_space<semaphore_mem>>) src(%dma_wait3A_95 : memref<16x128xi32, #tpu.memory_space<hbm>>) dst(%arg5 : memref<16x128xi32, #tpu.memory_space<vmem>>)
        tpu.yield
      }) : () -> ()
      %scan3A_68 = arith.constant 0 : i32
      %scan3A_69 = arith.constant 0 : i32
      %scan3A_70 = arith.constant 128 : i32
      %scan3A_71 = arith.addi %scan3A_69, %scan3A_70 : i32
      %scan3A_72 = arith.constant 1 : i32
      %scan3A_73 = scf.for %scan3A_89 = %scan3A_69 to %scan3A_71 step %scan3A_72 iter_args(%scan3A_90 = %scan3A_68) -> (i32)  : i32 {
        %jit3A = arith.constant 8 : i32
        %div3A = arith.divsi %scan3A_89, %jit3A : i32
        %sign3A = arith.constant 0 : i32
        %sign3A_91 = arith.cmpi sgt, %scan3A_89, %sign3A : i32
        %sign3A_92 = arith.extui %sign3A_91 : i1 to i32
        %sign3A_93 = arith.constant 0 : i32
        %sign3A_94 = arith.cmpi slt, %scan3A_89, %sign3A_93 : i32
        %sign3A_95 = arith.extui %sign3A_94 : i1 to i32
        %sign3A_96 = arith.subi %sign3A_92, %sign3A_95 : i32
        %sign3A_97 = arith.constant 0 : i32
        %sign3A_98 = arith.cmpi sgt, %jit3A, %sign3A_97 : i32
        %sign3A_99 = arith.extui %sign3A_98 : i1 to i32
        %sign3A_100 = arith.constant 0 : i32
        %sign3A_101 = arith.cmpi slt, %jit3A, %sign3A_100 : i32
        %sign3A_102 = arith.extui %sign3A_101 : i1 to i32
        %sign3A_103 = arith.subi %sign3A_99, %sign3A_102 : i32
        %ne3A = arith.cmpi ne, %sign3A_96, %sign3A_103 : i32
        %rem3A = arith.remsi %scan3A_89, %jit3A : i32
        %ne3A_104 = arith.constant 0 : i32
        %ne3A_105 = arith.cmpi ne, %rem3A, %ne3A_104 : i32
        %and3A = arith.andi %ne3A, %ne3A_105 : i1
        %sub3A = arith.constant 1 : i32
        %sub3A_106 = arith.subi %div3A, %sub3A : i32
        %select_n3A = arith.select %and3A, %sub3A_106, %div3A : i32
        %jit3A_107 = arith.constant 8 : i32
        %eq3A = arith.constant 0 : i32
        %eq3A_108 = arith.cmpi eq, %jit3A_107, %eq3A : i32
        %jit3A_109 = arith.constant 1 : i32
        %select_n3A_110 = arith.select %eq3A_108, %jit3A_109, %jit3A_107 : i32
        %rem3A_111 = arith.remsi %scan3A_89, %select_n3A_110 : i32
        %ne3A_112 = arith.constant 0 : i32
        %ne3A_113 = arith.cmpi ne, %rem3A_111, %ne3A_112 : i32
        %lt3A = arith.constant 0 : i32
        %lt3A_114 = arith.cmpi slt, %rem3A_111, %lt3A : i32
        %lt3A_115 = arith.constant 0 : i32
        %lt3A_116 = arith.cmpi slt, %select_n3A_110, %lt3A_115 : i32
        %ne3A_117 = arith.xori %lt3A_114, %lt3A_116 : i1
        %and3A_118 = arith.andi %ne3A_117, %ne3A_113 : i1
        %add3A_119 = arith.addi %rem3A_111, %select_n3A_110 : i32
        %select_n3A_120 = arith.select %and3A_118, %add3A_119, %rem3A_111 : i32
        %mul3A_121 = arith.constant 16 : i32
        %mul3A_122 = arith.muli %select_n3A_120, %mul3A_121 : i32
        %get3A = arith.index_cast %select_n3A : i32 to index
        %get3A_123 = arith.index_cast %mul3A_122 : i32 to index
        %get3A_124 = tpu.vector_load %arg5[%get3A, %get3A_123] {strides = array<i32>} : memref<16x128xi32, #tpu.memory_space<vmem>>, vector<1x16xi32>,
        %get3A_125 = vector.shape_cast %get3A_124 : vector<1x16xi32> to vector<16xi32>
        %and3A_126 = arith.constant 65535 : i32
        %and3A_127 = vector.broadcast %and3A_126 : i32 to vector<16xi32>
        %and3A_128 = arith.andi %get3A_125, %and3A_127 : vector<16xi32>
        %swap3A = arith.index_cast %select_n3A : i32 to index
        %swap3A_129 = arith.index_cast %mul3A_122 : i32 to index
        %swap3A_130 = tpu.vector_load %arg6[%swap3A, %swap3A_129] {strides = array<i32>} : memref<16x128xi32, #tpu.memory_space<vmem>>, vector<1x16xi32>,
        %swap3A_131 = vector.shape_cast %swap3A_130 : vector<1x16xi32> to vector<16xi32>
        %swap3A_132 = vector.shape_cast %and3A_128 : vector<16xi32> to vector<1x16xi32>
        tpu.vector_store %arg6[%swap3A, %swap3A_129], %swap3A_132 {strides = array<i32>} : memref<16x128xi32, #tpu.memory_space<vmem>>, vector<1x16xi32>,
        %shift_right_logical3A = arith.constant 16 : i32
        %shift_right_logical3A_133 = vector.broadcast %shift_right_logical3A : i32 to vector<16xi32>
        %shift_right_logical3A_134 = arith.shrui %get3A_125, %shift_right_logical3A_133 : vector<16xi32>
        %add3A_135 = arith.constant 0 : i32
        %add3A_136 = vector.broadcast %add3A_135 : i32 to vector<16xi32>
        %add3A_137 = arith.addi %shift_right_logical3A_134, %add3A_136 : vector<16xi32>
        %swap3A_138 = arith.index_cast %select_n3A : i32 to index
        %swap3A_139 = arith.index_cast %mul3A_122 : i32 to index
        %swap3A_140 = tpu.vector_load %arg5[%swap3A_138, %swap3A_139] {strides = array<i32>} : memref<16x128xi32, #tpu.memory_space<vmem>>, vector<1x16xi32>,
        %swap3A_141 = vector.shape_cast %swap3A_140 : vector<1x16xi32> to vector<16xi32>
        %swap3A_142 = vector.shape_cast %add3A_137 : vector<16xi32> to vector<1x16xi32>
        tpu.vector_store %arg5[%swap3A_138, %swap3A_139], %swap3A_142 {strides = array<i32>} : memref<16x128xi32, #tpu.memory_space<vmem>>, vector<1x16xi32>,
        %scan3A_143 = arith.constant 0 : i32
        scf.yield %scan3A_143 : i32
      }
      %scan3A_74 = arith.constant 128 : i32
      %dma_start3A = arith.constant 0 : i32
      %dma_start3A_75 = arith.constant 0 : i32
      %dma_start3A_76 = tpu.memref_slice %arg5[%dma_start3A, %dma_start3A_75] : memref<16x128xi32, #tpu.memory_space<vmem>> -> memref<1x128xi32, #tpu.memory_space<vmem>>
      %dma_start3A_77 = tpu.memref_squeeze %dma_start3A_76 : memref<1x128xi32, #tpu.memory_space<vmem>> -> memref<128xi32, #tpu.memory_space<vmem>>
      %dma_start3A_78 = arith.constant 0 : i32
      %dma_start3A_79 = arith.constant 0 : i32
      %dma_start3A_80 = tpu.memref_slice %arg2[%dma_start3A_78, %dma_start3A_79] : memref<30000x128xf32, #tpu.memory_space<hbm>> -> memref<30000x128xf32, #tpu.memory_space<hbm>>
      tpu.enqueue_indirect_dma source(%dma_start3A_80 : memref<30000x128xf32, #tpu.memory_space<hbm>>) target(%arg7 : memref<128x128xf32, #tpu.memory_space<vmem>>) offsets(%dma_start3A_77 : memref<128xi32, #tpu.memory_space<vmem>>) semaphore(%arg11 : memref<!tpu.dma_semaphore, #tpu.memory_space<semaphore_mem>>)
      %scan3A_81 = arith.constant 0 : i32
      %scan3A_82 = arith.constant 0 : i32
      %scan3A_83 = arith.constant 8 : i32
      %scan3A_84 = arith.addi %scan3A_82, %scan3A_83 : i32
      %scan3A_85 = arith.constant 1 : i32
      %scan3A_86 = scf.for %scan3A_89 = %scan3A_82 to %scan3A_84 step %scan3A_85 iter_args(%scan3A_90 = %scan3A_81) -> (i32)  : i32 {
        %mul3A_91 = arith.constant 2 : i32
        %mul3A_92 = arith.muli %scan3A_89, %mul3A_91 : i32
        %add3A_93 = arith.constant 1 : i32
        %add3A_94 = arith.addi %mul3A_92, %add3A_93 : i32
        %dma_start3A_95 = arith.constant 0 : i32
        %dma_start3A_96 = tpu.memref_slice %arg5[%add3A_94, %dma_start3A_95] : memref<16x128xi32, #tpu.memory_space<vmem>> -> memref<1x128xi32, #tpu.memory_space<vmem>>
        %dma_start3A_97 = tpu.memref_squeeze %dma_start3A_96 : memref<1x128xi32, #tpu.memory_space<vmem>> -> memref<128xi32, #tpu.memory_space<vmem>>
        %dma_start3A_98 = arith.constant 0 : i32
        %dma_start3A_99 = arith.constant 0 : i32
        %dma_start3A_100 = tpu.memref_slice %arg2[%dma_start3A_98, %dma_start3A_99] : memref<30000x128xf32, #tpu.memory_space<hbm>> -> memref<30000x128xf32, #tpu.memory_space<hbm>>
        tpu.enqueue_indirect_dma source(%dma_start3A_100 : memref<30000x128xf32, #tpu.memory_space<hbm>>) target(%arg8 : memref<128x128xf32, #tpu.memory_space<vmem>>) offsets(%dma_start3A_97 : memref<128xi32, #tpu.memory_space<vmem>>) semaphore(%arg12 : memref<!tpu.dma_semaphore, #tpu.memory_space<semaphore_mem>>)
        %dma_wait3A = arith.constant 0 : i32
        %dma_wait3A_101 = tpu.memref_slice %arg5[%mul3A_92, %dma_wait3A] : memref<16x128xi32, #tpu.memory_space<vmem>> -> memref<1x128xi32, #tpu.memory_space<vmem>>
        %dma_wait3A_102 = tpu.memref_squeeze %dma_wait3A_101 : memref<1x128xi32, #tpu.memory_space<vmem>> -> memref<128xi32, #tpu.memory_space<vmem>>
        %dma_wait3A_103 = arith.constant 0 : i32
        %dma_wait3A_104 = arith.constant 0 : i32
        %dma_wait3A_105 = tpu.memref_slice %arg2[%dma_wait3A_103, %dma_wait3A_104] : memref<30000x128xf32, #tpu.memory_space<hbm>> -> memref<30000x128xf32, #tpu.memory_space<hbm>>
        tpu.wait_indirect_dma semaphore(%arg11 : memref<!tpu.dma_semaphore, #tpu.memory_space<semaphore_mem>>) src(%dma_wait3A_105 : memref<30000x128xf32, #tpu.memory_space<hbm>>) dst(%arg7 : memref<128x128xf32, #tpu.memory_space<vmem>>)
        "tpu.region"() ({
          %run_scoped3A = tpu.sem_alloc : memref<!tpu.dma_semaphore, #tpu.memory_space<semaphore_mem>>
          %dma_start3A_119 = arith.constant 0 : i32
          %dma_start3A_120 = tpu.memref_slice %arg6[%mul3A_92, %dma_start3A_119] : memref<16x128xi32, #tpu.memory_space<vmem>> -> memref<1x128xi32, #tpu.memory_space<vmem>>
          %dma_start3A_121 = tpu.memref_squeeze %dma_start3A_120 : memref<1x128xi32, #tpu.memory_space<vmem>> -> memref<128xi32, #tpu.memory_space<vmem>>
          %dma_start3A_122 = arith.constant 0 : i32
          %dma_start3A_123 = arith.constant 0 : i32
          %dma_start3A_124 = tpu.memref_slice %arg10[%dma_start3A_122, %dma_start3A_123] : memref<10240x128xf32, #tpu.memory_space<vmem_shared>> -> memref<10240x128xf32, #tpu.memory_space<vmem_shared>>
          tpu.enqueue_indirect_dma source(%arg7 : memref<128x128xf32, #tpu.memory_space<vmem>>) target(%dma_start3A_124 : memref<10240x128xf32, #tpu.memory_space<vmem_shared>>) offsets(%dma_start3A_121 : memref<128xi32, #tpu.memory_space<vmem>>) semaphore(%run_scoped3A : memref<!tpu.dma_semaphore, #tpu.memory_space<semaphore_mem>>) {add = true}
          %dma_wait3A_125 = arith.constant 0 : i32
          %dma_wait3A_126 = tpu.memref_slice %arg6[%mul3A_92, %dma_wait3A_125] : memref<16x128xi32, #tpu.memory_space<vmem>> -> memref<1x128xi32, #tpu.memory_space<vmem>>
          %dma_wait3A_127 = tpu.memref_squeeze %dma_wait3A_126 : memref<1x128xi32, #tpu.memory_space<vmem>> -> memref<128xi32, #tpu.memory_space<vmem>>
          %dma_wait3A_128 = arith.constant 0 : i32
          %dma_wait3A_129 = arith.constant 0 : i32
          %dma_wait3A_130 = tpu.memref_slice %arg10[%dma_wait3A_128, %dma_wait3A_129] : memref<10240x128xf32, #tpu.memory_space<vmem_shared>> -> memref<10240x128xf32, #tpu.memory_space<vmem_shared>>
          tpu.wait_indirect_dma semaphore(%run_scoped3A : memref<!tpu.dma_semaphore, #tpu.memory_space<semaphore_mem>>) src(%arg7 : memref<128x128xf32, #tpu.memory_space<vmem>>) dst(%dma_wait3A_130 : memref<10240x128xf32, #tpu.memory_space<vmem_shared>>)
          tpu.yield
        }) : () -> ()
        %lt3A = arith.constant 7 : i32
        %lt3A_106 = arith.cmpi slt, %scan3A_89, %lt3A : i32
        %convert_element_type3A = arith.extui %lt3A_106 : i1 to i32
        %cond3A = arith.constant 0 : i32
        %cond3A_107 = arith.cmpi ne, %convert_element_type3A, %cond3A : i32
        scf.if %cond3A_107 {
          %add3A_119 = arith.constant 2 : i32
          %add3A_120 = arith.addi %mul3A_92, %add3A_119 : i32
          %dma_start3A_121 = arith.constant 0 : i32
          %dma_start3A_122 = tpu.memref_slice %arg5[%add3A_120, %dma_start3A_121] : memref<16x128xi32, #tpu.memory_space<vmem>> -> memref<1x128xi32, #tpu.memory_space<vmem>>
          %dma_start3A_123 = tpu.memref_squeeze %dma_start3A_122 : memref<1x128xi32, #tpu.memory_space<vmem>> -> memref<128xi32, #tpu.memory_space<vmem>>
          %dma_start3A_124 = arith.constant 0 : i32
          %dma_start3A_125 = arith.constant 0 : i32
          %dma_start3A_126 = tpu.memref_slice %arg2[%dma_start3A_124, %dma_start3A_125] : memref<30000x128xf32, #tpu.memory_space<hbm>> -> memref<30000x128xf32, #tpu.memory_space<hbm>>
          tpu.enqueue_indirect_dma source(%dma_start3A_126 : memref<30000x128xf32, #tpu.memory_space<hbm>>) target(%arg7 : memref<128x128xf32, #tpu.memory_space<vmem>>) offsets(%dma_start3A_123 : memref<128xi32, #tpu.memory_space<vmem>>) semaphore(%arg11 : memref<!tpu.dma_semaphore, #tpu.memory_space<semaphore_mem>>)
        } else {
        }
        %add3A_108 = arith.constant 1 : i32
        %add3A_109 = arith.addi %mul3A_92, %add3A_108 : i32
        %dma_wait3A_110 = arith.constant 0 : i32
        %dma_wait3A_111 = tpu.memref_slice %arg5[%add3A_109, %dma_wait3A_110] : memref<16x128xi32, #tpu.memory_space<vmem>> -> memref<1x128xi32, #tpu.memory_space<vmem>>
        %dma_wait3A_112 = tpu.memref_squeeze %dma_wait3A_111 : memref<1x128xi32, #tpu.memory_space<vmem>> -> memref<128xi32, #tpu.memory_space<vmem>>
        %dma_wait3A_113 = arith.constant 0 : i32
        %dma_wait3A_114 = arith.constant 0 : i32
        %dma_wait3A_115 = tpu.memref_slice %arg2[%dma_wait3A_113, %dma_wait3A_114] : memref<30000x128xf32, #tpu.memory_space<hbm>> -> memref<30000x128xf32, #tpu.memory_space<hbm>>
        tpu.wait_indirect_dma semaphore(%arg12 : memref<!tpu.dma_semaphore, #tpu.memory_space<semaphore_mem>>) src(%dma_wait3A_115 : memref<30000x128xf32, #tpu.memory_space<hbm>>) dst(%arg8 : memref<128x128xf32, #tpu.memory_space<vmem>>)
        %add3A_116 = arith.constant 1 : i32
        %add3A_117 = arith.addi %mul3A_92, %add3A_116 : i32
        "tpu.region"() ({
          %run_scoped3A = tpu.sem_alloc : memref<!tpu.dma_semaphore, #tpu.memory_space<semaphore_mem>>
          %dma_start3A_119 = arith.constant 0 : i32
          %dma_start3A_120 = tpu.memref_slice %arg6[%add3A_117, %dma_start3A_119] : memref<16x128xi32, #tpu.memory_space<vmem>> -> memref<1x128xi32, #tpu.memory_space<vmem>>
          %dma_start3A_121 = tpu.memref_squeeze %dma_start3A_120 : memref<1x128xi32, #tpu.memory_space<vmem>> -> memref<128xi32, #tpu.memory_space<vmem>>
          %dma_start3A_122 = arith.constant 0 : i32
          %dma_start3A_123 = arith.constant 0 : i32
          %dma_start3A_124 = tpu.memref_slice %arg10[%dma_start3A_122, %dma_start3A_123] : memref<10240x128xf32, #tpu.memory_space<vmem_shared>> -> memref<10240x128xf32, #tpu.memory_space<vmem_shared>>
          tpu.enqueue_indirect_dma source(%arg8 : memref<128x128xf32, #tpu.memory_space<vmem>>) target(%dma_start3A_124 : memref<10240x128xf32, #tpu.memory_space<vmem_shared>>) offsets(%dma_start3A_121 : memref<128xi32, #tpu.memory_space<vmem>>) semaphore(%run_scoped3A : memref<!tpu.dma_semaphore, #tpu.memory_space<semaphore_mem>>) {add = true}
          %dma_wait3A_125 = arith.constant 0 : i32
          %dma_wait3A_126 = tpu.memref_slice %arg6[%add3A_117, %dma_wait3A_125] : memref<16x128xi32, #tpu.memory_space<vmem>> -> memref<1x128xi32, #tpu.memory_space<vmem>>
          %dma_wait3A_127 = tpu.memref_squeeze %dma_wait3A_126 : memref<1x128xi32, #tpu.memory_space<vmem>> -> memref<128xi32, #tpu.memory_space<vmem>>
          %dma_wait3A_128 = arith.constant 0 : i32
          %dma_wait3A_129 = arith.constant 0 : i32
          %dma_wait3A_130 = tpu.memref_slice %arg10[%dma_wait3A_128, %dma_wait3A_129] : memref<10240x128xf32, #tpu.memory_space<vmem_shared>> -> memref<10240x128xf32, #tpu.memory_space<vmem_shared>>
          tpu.wait_indirect_dma semaphore(%run_scoped3A : memref<!tpu.dma_semaphore, #tpu.memory_space<semaphore_mem>>) src(%arg8 : memref<128x128xf32, #tpu.memory_space<vmem>>) dst(%dma_wait3A_130 : memref<10240x128xf32, #tpu.memory_space<vmem_shared>>)
          tpu.yield
        }) : () -> ()
        %scan3A_118 = arith.constant 0 : i32
        scf.yield %scan3A_118 : i32
      }
      %scan3A_87 = arith.constant 8 : i32
      %scan3A_88 = arith.constant 0 : i32
      scf.yield %scan3A_88 : i32
    }
    %scan3A_20 = arith.constant 5 : i32
    %barrier3A_21 = arith.constant 0 : index
    tpu.barrier barrier_id(%barrier3A_21)
    %scan3A_22 = arith.constant 0 : i32
    %scan3A_23 = arith.constant 0 : i32
    %scan3A_24 = arith.constant 5 : i32
    %scan3A_25 = arith.addi %scan3A_23, %scan3A_24 : i32
    %scan3A_26 = arith.constant 1 : i32
    %scan3A_27 = scf.for %scan3A_61 = %scan3A_23 to %scan3A_25 step %scan3A_26 iter_args(%scan3A_62 = %scan3A_22) -> (i32)  : i32 {
      %mul3A_63 = arith.constant 640 : i32
      %mul3A_64 = arith.muli %arg1, %mul3A_63 : i32
      %mul3A_65 = arith.constant 128 : i32
      %mul3A_66 = arith.muli %scan3A_61, %mul3A_65 : i32
      %add3A_67 = arith.addi %mul3A_64, %mul3A_66 : i32
      "tpu.region"() ({
        %run_scoped3A = tpu.sem_alloc : memref<!tpu.dma_semaphore, #tpu.memory_space<semaphore_mem>>
        %dma_start3A = arith.constant 0 : i32
        %dma_start3A_83 = tpu.memref_slice %arg10[%add3A_67, %dma_start3A] : memref<10240x128xf32, #tpu.memory_space<vmem_shared>> -> memref<128x128xf32, #tpu.memory_space<vmem_shared>>
        %dma_start3A_84 = arith.constant 0 : i32
        %dma_start3A_85 = tpu.memref_slice %arg10[%add3A_67, %dma_start3A_84] : memref<10240x128xf32, #tpu.memory_space<vmem_shared>> -> memref<128x128xf32, #tpu.memory_space<vmem_shared>>
        tpu.enqueue_dma source(%dma_start3A_85 : memref<128x128xf32, #tpu.memory_space<vmem_shared>>) target(%arg7 : memref<128x128xf32, #tpu.memory_space<vmem>>) target_semaphore(%run_scoped3A : memref<!tpu.dma_semaphore, #tpu.memory_space<semaphore_mem>>)
        %dma_wait3A = arith.constant 0 : i32
        %dma_wait3A_86 = tpu.memref_slice %arg10[%add3A_67, %dma_wait3A] : memref<10240x128xf32, #tpu.memory_space<vmem_shared>> -> memref<128x128xf32, #tpu.memory_space<vmem_shared>>
        %dma_wait3A_87 = arith.constant 0 : i32
        %dma_wait3A_88 = tpu.memref_slice %arg10[%add3A_67, %dma_wait3A_87] : memref<10240x128xf32, #tpu.memory_space<vmem_shared>> -> memref<128x128xf32, #tpu.memory_space<vmem_shared>>
        tpu.wait_dma2 semaphore(%run_scoped3A : memref<!tpu.dma_semaphore, #tpu.memory_space<semaphore_mem>>) src(%dma_wait3A_88 : memref<128x128xf32, #tpu.memory_space<vmem_shared>>) dst(%arg7 : memref<128x128xf32, #tpu.memory_space<vmem>>)
        tpu.yield
      }) : () -> ()
      %mul3A_68 = arith.constant 3 : i32
      %mul3A_69 = arith.muli %arg0, %mul3A_68 : i32
      %add3A_70 = arith.constant 0 : i32
      %add3A_71 = arith.addi %mul3A_69, %add3A_70 : i32
      %mul3A_72 = arith.constant 10240 : i32
      %mul3A_73 = arith.muli %add3A_71, %mul3A_72 : i32
      %add3A_74 = arith.addi %mul3A_73, %add3A_67 : i32
      "tpu.region"() ({
        %run_scoped3A = tpu.sem_alloc : memref<!tpu.dma_semaphore, #tpu.memory_space<semaphore_mem>>
        %dma_start3A = arith.constant 0 : i32
        %dma_start3A_83 = tpu.memref_slice %arg4[%add3A_74, %dma_start3A] : memref<61440x128xf32, #tpu.memory_space<hbm>> -> memref<128x128xf32, #tpu.memory_space<hbm>>
        %dma_start3A_84 = arith.constant 0 : i32
        %dma_start3A_85 = tpu.memref_slice %arg4[%add3A_74, %dma_start3A_84] : memref<61440x128xf32, #tpu.memory_space<hbm>> -> memref<128x128xf32, #tpu.memory_space<hbm>>
        tpu.enqueue_dma source(%arg7 : memref<128x128xf32, #tpu.memory_space<vmem>>) target(%dma_start3A_85 : memref<128x128xf32, #tpu.memory_space<hbm>>) target_semaphore(%run_scoped3A : memref<!tpu.dma_semaphore, #tpu.memory_space<semaphore_mem>>)
        %dma_wait3A = arith.constant 0 : i32
        %dma_wait3A_86 = tpu.memref_slice %arg4[%add3A_74, %dma_wait3A] : memref<61440x128xf32, #tpu.memory_space<hbm>> -> memref<128x128xf32, #tpu.memory_space<hbm>>
        %dma_wait3A_87 = arith.constant 0 : i32
        %dma_wait3A_88 = tpu.memref_slice %arg4[%add3A_74, %dma_wait3A_87] : memref<61440x128xf32, #tpu.memory_space<hbm>> -> memref<128x128xf32, #tpu.memory_space<hbm>>
        tpu.wait_dma2 semaphore(%run_scoped3A : memref<!tpu.dma_semaphore, #tpu.memory_space<semaphore_mem>>) src(%arg7 : memref<128x128xf32, #tpu.memory_space<vmem>>) dst(%dma_wait3A_88 : memref<128x128xf32, #tpu.memory_space<hbm>>)
        tpu.yield
      }) : () -> ()
      %scan3A_75 = arith.constant 0 : i32
      %scan3A_76 = arith.constant 0 : i32
      %scan3A_77 = arith.constant 4 : i32
      %scan3A_78 = arith.addi %scan3A_76, %scan3A_77 : i32
      %scan3A_79 = arith.constant 1 : i32
      %scan3A_80 = scf.for %scan3A_83 = %scan3A_76 to %scan3A_78 step %scan3A_79 iter_args(%scan3A_84 = %scan3A_75) -> (i32)  : i32 {
        %mul3A_85 = arith.constant 32 : i32
        %mul3A_86 = arith.muli %scan3A_83, %mul3A_85 : i32
        %add3A_87 = arith.addi %add3A_67, %mul3A_86 : i32
        "tpu.region"() ({
          %run_scoped3A = tpu.sem_alloc : memref<!tpu.dma_semaphore, #tpu.memory_space<semaphore_mem>>
          %dma_start3A = arith.constant 0 : i32
          %dma_start3A_89 = tpu.memref_slice %arg10[%add3A_87, %dma_start3A] : memref<10240x128xf32, #tpu.memory_space<vmem_shared>> -> memref<32x128xf32, #tpu.memory_space<vmem_shared>>
          %dma_start3A_90 = arith.constant 0 : i32
          %dma_start3A_91 = tpu.memref_slice %arg10[%add3A_87, %dma_start3A_90] : memref<10240x128xf32, #tpu.memory_space<vmem_shared>> -> memref<32x128xf32, #tpu.memory_space<vmem_shared>>
          tpu.enqueue_dma source(%arg9 : memref<32x128xf32, #tpu.memory_space<vmem>>) target(%dma_start3A_91 : memref<32x128xf32, #tpu.memory_space<vmem_shared>>) target_semaphore(%run_scoped3A : memref<!tpu.dma_semaphore, #tpu.memory_space<semaphore_mem>>)
          %dma_wait3A = arith.constant 0 : i32
          %dma_wait3A_92 = tpu.memref_slice %arg10[%add3A_87, %dma_wait3A] : memref<10240x128xf32, #tpu.memory_space<vmem_shared>> -> memref<32x128xf32, #tpu.memory_space<vmem_shared>>
          %dma_wait3A_93 = arith.constant 0 : i32
          %dma_wait3A_94 = tpu.memref_slice %arg10[%add3A_87, %dma_wait3A_93] : memref<10240x128xf32, #tpu.memory_space<vmem_shared>> -> memref<32x128xf32, #tpu.memory_space<vmem_shared>>
          tpu.wait_dma2 semaphore(%run_scoped3A : memref<!tpu.dma_semaphore, #tpu.memory_space<semaphore_mem>>) src(%arg9 : memref<32x128xf32, #tpu.memory_space<vmem>>) dst(%dma_wait3A_94 : memref<32x128xf32, #tpu.memory_space<vmem_shared>>)
          tpu.yield
        }) : () -> ()
        %scan3A_88 = arith.constant 0 : i32
        scf.yield %scan3A_88 : i32
      }
      %scan3A_81 = arith.constant 4 : i32
      %scan3A_82 = arith.constant 0 : i32
      scf.yield %scan3A_82 : i32
    }
    %scan3A_28 = arith.constant 5 : i32
    %barrier3A_29 = arith.constant 0 : index
    tpu.barrier barrier_id(%barrier3A_29)
    %scan3A_30 = arith.constant 0 : i32
    %scan3A_31 = arith.constant 0 : i32
    %scan3A_32 = arith.constant 5 : i32
    %scan3A_33 = arith.addi %scan3A_31, %scan3A_32 : i32
    %scan3A_34 = arith.constant 1 : i32
    %scan3A_35 = scf.for %scan3A_61 = %scan3A_31 to %scan3A_33 step %scan3A_34 iter_args(%scan3A_62 = %scan3A_30) -> (i32)  : i32 {
      %mul3A_63 = arith.constant 80 : i32
      %mul3A_64 = arith.muli %add3A, %mul3A_63 : i32
      %mul3A_65 = arith.constant 16 : i32
      %mul3A_66 = arith.muli %scan3A_61, %mul3A_65 : i32
      %add3A_67 = arith.addi %mul3A_64, %mul3A_66 : i32
      "tpu.region"() ({
        %run_scoped3A = tpu.sem_alloc : memref<!tpu.dma_semaphore, #tpu.memory_space<semaphore_mem>>
        %dma_start3A_89 = arith.constant 0 : i32
        %dma_start3A_90 = tpu.memref_slice %arg3[%add3A_67, %dma_start3A_89] : memref<2560x128xi32, #tpu.memory_space<hbm>> -> memref<16x128xi32, #tpu.memory_space<hbm>>
        %dma_start3A_91 = arith.constant 0 : i32
        %dma_start3A_92 = tpu.memref_slice %arg3[%add3A_67, %dma_start3A_91] : memref<2560x128xi32, #tpu.memory_space<hbm>> -> memref<16x128xi32, #tpu.memory_space<hbm>>
        tpu.enqueue_dma source(%dma_start3A_92 : memref<16x128xi32, #tpu.memory_space<hbm>>) target(%arg5 : memref<16x128xi32, #tpu.memory_space<vmem>>) target_semaphore(%run_scoped3A : memref<!tpu.dma_semaphore, #tpu.memory_space<semaphore_mem>>)
        %dma_wait3A = arith.constant 0 : i32
        %dma_wait3A_93 = tpu.memref_slice %arg3[%add3A_67, %dma_wait3A] : memref<2560x128xi32, #tpu.memory_space<hbm>> -> memref<16x128xi32, #tpu.memory_space<hbm>>
        %dma_wait3A_94 = arith.constant 0 : i32
        %dma_wait3A_95 = tpu.memref_slice %arg3[%add3A_67, %dma_wait3A_94] : memref<2560x128xi32, #tpu.memory_space<hbm>> -> memref<16x128xi32, #tpu.memory_space<hbm>>
        tpu.wait_dma2 semaphore(%run_scoped3A : memref<!tpu.dma_semaphore, #tpu.memory_space<semaphore_mem>>) src(%dma_wait3A_95 : memref<16x128xi32, #tpu.memory_space<hbm>>) dst(%arg5 : memref<16x128xi32, #tpu.memory_space<vmem>>)
        tpu.yield
      }) : () -> ()
      %scan3A_68 = arith.constant 0 : i32
      %scan3A_69 = arith.constant 0 : i32
      %scan3A_70 = arith.constant 128 : i32
      %scan3A_71 = arith.addi %scan3A_69, %scan3A_70 : i32
      %scan3A_72 = arith.constant 1 : i32
      %scan3A_73 = scf.for %scan3A_89 = %scan3A_69 to %scan3A_71 step %scan3A_72 iter_args(%scan3A_90 = %scan3A_68) -> (i32)  : i32 {
        %jit3A = arith.constant 8 : i32
        %div3A = arith.divsi %scan3A_89, %jit3A : i32
        %sign3A = arith.constant 0 : i32
        %sign3A_91 = arith.cmpi sgt, %scan3A_89, %sign3A : i32
        %sign3A_92 = arith.extui %sign3A_91 : i1 to i32
        %sign3A_93 = arith.constant 0 : i32
        %sign3A_94 = arith.cmpi slt, %scan3A_89, %sign3A_93 : i32
        %sign3A_95 = arith.extui %sign3A_94 : i1 to i32
        %sign3A_96 = arith.subi %sign3A_92, %sign3A_95 : i32
        %sign3A_97 = arith.constant 0 : i32
        %sign3A_98 = arith.cmpi sgt, %jit3A, %sign3A_97 : i32
        %sign3A_99 = arith.extui %sign3A_98 : i1 to i32
        %sign3A_100 = arith.constant 0 : i32
        %sign3A_101 = arith.cmpi slt, %jit3A, %sign3A_100 : i32
        %sign3A_102 = arith.extui %sign3A_101 : i1 to i32
        %sign3A_103 = arith.subi %sign3A_99, %sign3A_102 : i32
        %ne3A = arith.cmpi ne, %sign3A_96, %sign3A_103 : i32
        %rem3A = arith.remsi %scan3A_89, %jit3A : i32
        %ne3A_104 = arith.constant 0 : i32
        %ne3A_105 = arith.cmpi ne, %rem3A, %ne3A_104 : i32
        %and3A = arith.andi %ne3A, %ne3A_105 : i1
        %sub3A = arith.constant 1 : i32
        %sub3A_106 = arith.subi %div3A, %sub3A : i32
        %select_n3A = arith.select %and3A, %sub3A_106, %div3A : i32
        %jit3A_107 = arith.constant 8 : i32
        %eq3A = arith.constant 0 : i32
        %eq3A_108 = arith.cmpi eq, %jit3A_107, %eq3A : i32
        %jit3A_109 = arith.constant 1 : i32
        %select_n3A_110 = arith.select %eq3A_108, %jit3A_109, %jit3A_107 : i32
        %rem3A_111 = arith.remsi %scan3A_89, %select_n3A_110 : i32
        %ne3A_112 = arith.constant 0 : i32
        %ne3A_113 = arith.cmpi ne, %rem3A_111, %ne3A_112 : i32
        %lt3A = arith.constant 0 : i32
        %lt3A_114 = arith.cmpi slt, %rem3A_111, %lt3A : i32
        %lt3A_115 = arith.constant 0 : i32
        %lt3A_116 = arith.cmpi slt, %select_n3A_110, %lt3A_115 : i32
        %ne3A_117 = arith.xori %lt3A_114, %lt3A_116 : i1
        %and3A_118 = arith.andi %ne3A_117, %ne3A_113 : i1
        %add3A_119 = arith.addi %rem3A_111, %select_n3A_110 : i32
        %select_n3A_120 = arith.select %and3A_118, %add3A_119, %rem3A_111 : i32
        %mul3A_121 = arith.constant 16 : i32
        %mul3A_122 = arith.muli %select_n3A_120, %mul3A_121 : i32
        %get3A = arith.index_cast %select_n3A : i32 to index
        %get3A_123 = arith.index_cast %mul3A_122 : i32 to index
        %get3A_124 = tpu.vector_load %arg5[%get3A, %get3A_123] {strides = array<i32>} : memref<16x128xi32, #tpu.memory_space<vmem>>, vector<1x16xi32>,
        %get3A_125 = vector.shape_cast %get3A_124 : vector<1x16xi32> to vector<16xi32>
        %and3A_126 = arith.constant 65535 : i32
        %and3A_127 = vector.broadcast %and3A_126 : i32 to vector<16xi32>
        %and3A_128 = arith.andi %get3A_125, %and3A_127 : vector<16xi32>
        %swap3A = arith.index_cast %select_n3A : i32 to index
        %swap3A_129 = arith.index_cast %mul3A_122 : i32 to index
        %swap3A_130 = tpu.vector_load %arg6[%swap3A, %swap3A_129] {strides = array<i32>} : memref<16x128xi32, #tpu.memory_space<vmem>>, vector<1x16xi32>,
        %swap3A_131 = vector.shape_cast %swap3A_130 : vector<1x16xi32> to vector<16xi32>
        %swap3A_132 = vector.shape_cast %and3A_128 : vector<16xi32> to vector<1x16xi32>
        tpu.vector_store %arg6[%swap3A, %swap3A_129], %swap3A_132 {strides = array<i32>} : memref<16x128xi32, #tpu.memory_space<vmem>>, vector<1x16xi32>,
        %shift_right_logical3A = arith.constant 16 : i32
        %shift_right_logical3A_133 = vector.broadcast %shift_right_logical3A : i32 to vector<16xi32>
        %shift_right_logical3A_134 = arith.shrui %get3A_125, %shift_right_logical3A_133 : vector<16xi32>
        %add3A_135 = arith.constant 10000 : i32
        %add3A_136 = vector.broadcast %add3A_135 : i32 to vector<16xi32>
        %add3A_137 = arith.addi %shift_right_logical3A_134, %add3A_136 : vector<16xi32>
        %swap3A_138 = arith.index_cast %select_n3A : i32 to index
        %swap3A_139 = arith.index_cast %mul3A_122 : i32 to index
        %swap3A_140 = tpu.vector_load %arg5[%swap3A_138, %swap3A_139] {strides = array<i32>} : memref<16x128xi32, #tpu.memory_space<vmem>>, vector<1x16xi32>,
        %swap3A_141 = vector.shape_cast %swap3A_140 : vector<1x16xi32> to vector<16xi32>
        %swap3A_142 = vector.shape_cast %add3A_137 : vector<16xi32> to vector<1x16xi32>
        tpu.vector_store %arg5[%swap3A_138, %swap3A_139], %swap3A_142 {strides = array<i32>} : memref<16x128xi32, #tpu.memory_space<vmem>>, vector<1x16xi32>,
        %scan3A_143 = arith.constant 0 : i32
        scf.yield %scan3A_143 : i32
      }
      %scan3A_74 = arith.constant 128 : i32
      %dma_start3A = arith.constant 0 : i32
      %dma_start3A_75 = arith.constant 0 : i32
      %dma_start3A_76 = tpu.memref_slice %arg5[%dma_start3A, %dma_start3A_75] : memref<16x128xi32, #tpu.memory_space<vmem>> -> memref<1x128xi32, #tpu.memory_space<vmem>>
      %dma_start3A_77 = tpu.memref_squeeze %dma_start3A_76 : memref<1x128xi32, #tpu.memory_space<vmem>> -> memref<128xi32, #tpu.memory_space<vmem>>
      %dma_start3A_78 = arith.constant 0 : i32
      %dma_start3A_79 = arith.constant 0 : i32
      %dma_start3A_80 = tpu.memref_slice %arg2[%dma_start3A_78, %dma_start3A_79] : memref<30000x128xf32, #tpu.memory_space<hbm>> -> memref<30000x128xf32, #tpu.memory_space<hbm>>
      tpu.enqueue_indirect_dma source(%dma_start3A_80 : memref<30000x128xf32, #tpu.memory_space<hbm>>) target(%arg7 : memref<128x128xf32, #tpu.memory_space<vmem>>) offsets(%dma_start3A_77 : memref<128xi32, #tpu.memory_space<vmem>>) semaphore(%arg11 : memref<!tpu.dma_semaphore, #tpu.memory_space<semaphore_mem>>)
      %scan3A_81 = arith.constant 0 : i32
      %scan3A_82 = arith.constant 0 : i32
      %scan3A_83 = arith.constant 8 : i32
      %scan3A_84 = arith.addi %scan3A_82, %scan3A_83 : i32
      %scan3A_85 = arith.constant 1 : i32
      %scan3A_86 = scf.for %scan3A_89 = %scan3A_82 to %scan3A_84 step %scan3A_85 iter_args(%scan3A_90 = %scan3A_81) -> (i32)  : i32 {
        %mul3A_91 = arith.constant 2 : i32
        %mul3A_92 = arith.muli %scan3A_89, %mul3A_91 : i32
        %add3A_93 = arith.constant 1 : i32
        %add3A_94 = arith.addi %mul3A_92, %add3A_93 : i32
        %dma_start3A_95 = arith.constant 0 : i32
        %dma_start3A_96 = tpu.memref_slice %arg5[%add3A_94, %dma_start3A_95] : memref<16x128xi32, #tpu.memory_space<vmem>> -> memref<1x128xi32, #tpu.memory_space<vmem>>
        %dma_start3A_97 = tpu.memref_squeeze %dma_start3A_96 : memref<1x128xi32, #tpu.memory_space<vmem>> -> memref<128xi32, #tpu.memory_space<vmem>>
        %dma_start3A_98 = arith.constant 0 : i32
        %dma_start3A_99 = arith.constant 0 : i32
        %dma_start3A_100 = tpu.memref_slice %arg2[%dma_start3A_98, %dma_start3A_99] : memref<30000x128xf32, #tpu.memory_space<hbm>> -> memref<30000x128xf32, #tpu.memory_space<hbm>>
        tpu.enqueue_indirect_dma source(%dma_start3A_100 : memref<30000x128xf32, #tpu.memory_space<hbm>>) target(%arg8 : memref<128x128xf32, #tpu.memory_space<vmem>>) offsets(%dma_start3A_97 : memref<128xi32, #tpu.memory_space<vmem>>) semaphore(%arg12 : memref<!tpu.dma_semaphore, #tpu.memory_space<semaphore_mem>>)
        %dma_wait3A = arith.constant 0 : i32
        %dma_wait3A_101 = tpu.memref_slice %arg5[%mul3A_92, %dma_wait3A] : memref<16x128xi32, #tpu.memory_space<vmem>> -> memref<1x128xi32, #tpu.memory_space<vmem>>
        %dma_wait3A_102 = tpu.memref_squeeze %dma_wait3A_101 : memref<1x128xi32, #tpu.memory_space<vmem>> -> memref<128xi32, #tpu.memory_space<vmem>>
        %dma_wait3A_103 = arith.constant 0 : i32
        %dma_wait3A_104 = arith.constant 0 : i32
        %dma_wait3A_105 = tpu.memref_slice %arg2[%dma_wait3A_103, %dma_wait3A_104] : memref<30000x128xf32, #tpu.memory_space<hbm>> -> memref<30000x128xf32, #tpu.memory_space<hbm>>
        tpu.wait_indirect_dma semaphore(%arg11 : memref<!tpu.dma_semaphore, #tpu.memory_space<semaphore_mem>>) src(%dma_wait3A_105 : memref<30000x128xf32, #tpu.memory_space<hbm>>) dst(%arg7 : memref<128x128xf32, #tpu.memory_space<vmem>>)
        "tpu.region"() ({
          %run_scoped3A = tpu.sem_alloc : memref<!tpu.dma_semaphore, #tpu.memory_space<semaphore_mem>>
          %dma_start3A_119 = arith.constant 0 : i32
          %dma_start3A_120 = tpu.memref_slice %arg6[%mul3A_92, %dma_start3A_119] : memref<16x128xi32, #tpu.memory_space<vmem>> -> memref<1x128xi32, #tpu.memory_space<vmem>>
          %dma_start3A_121 = tpu.memref_squeeze %dma_start3A_120 : memref<1x128xi32, #tpu.memory_space<vmem>> -> memref<128xi32, #tpu.memory_space<vmem>>
          %dma_start3A_122 = arith.constant 0 : i32
          %dma_start3A_123 = arith.constant 0 : i32
          %dma_start3A_124 = tpu.memref_slice %arg10[%dma_start3A_122, %dma_start3A_123] : memref<10240x128xf32, #tpu.memory_space<vmem_shared>> -> memref<10240x128xf32, #tpu.memory_space<vmem_shared>>
          tpu.enqueue_indirect_dma source(%arg7 : memref<128x128xf32, #tpu.memory_space<vmem>>) target(%dma_start3A_124 : memref<10240x128xf32, #tpu.memory_space<vmem_shared>>) offsets(%dma_start3A_121 : memref<128xi32, #tpu.memory_space<vmem>>) semaphore(%run_scoped3A : memref<!tpu.dma_semaphore, #tpu.memory_space<semaphore_mem>>) {add = true}
          %dma_wait3A_125 = arith.constant 0 : i32
          %dma_wait3A_126 = tpu.memref_slice %arg6[%mul3A_92, %dma_wait3A_125] : memref<16x128xi32, #tpu.memory_space<vmem>> -> memref<1x128xi32, #tpu.memory_space<vmem>>
          %dma_wait3A_127 = tpu.memref_squeeze %dma_wait3A_126 : memref<1x128xi32, #tpu.memory_space<vmem>> -> memref<128xi32, #tpu.memory_space<vmem>>
          %dma_wait3A_128 = arith.constant 0 : i32
          %dma_wait3A_129 = arith.constant 0 : i32
          %dma_wait3A_130 = tpu.memref_slice %arg10[%dma_wait3A_128, %dma_wait3A_129] : memref<10240x128xf32, #tpu.memory_space<vmem_shared>> -> memref<10240x128xf32, #tpu.memory_space<vmem_shared>>
          tpu.wait_indirect_dma semaphore(%run_scoped3A : memref<!tpu.dma_semaphore, #tpu.memory_space<semaphore_mem>>) src(%arg7 : memref<128x128xf32, #tpu.memory_space<vmem>>) dst(%dma_wait3A_130 : memref<10240x128xf32, #tpu.memory_space<vmem_shared>>)
          tpu.yield
        }) : () -> ()
        %lt3A = arith.constant 7 : i32
        %lt3A_106 = arith.cmpi slt, %scan3A_89, %lt3A : i32
        %convert_element_type3A = arith.extui %lt3A_106 : i1 to i32
        %cond3A = arith.constant 0 : i32
        %cond3A_107 = arith.cmpi ne, %convert_element_type3A, %cond3A : i32
        scf.if %cond3A_107 {
          %add3A_119 = arith.constant 2 : i32
          %add3A_120 = arith.addi %mul3A_92, %add3A_119 : i32
          %dma_start3A_121 = arith.constant 0 : i32
          %dma_start3A_122 = tpu.memref_slice %arg5[%add3A_120, %dma_start3A_121] : memref<16x128xi32, #tpu.memory_space<vmem>> -> memref<1x128xi32, #tpu.memory_space<vmem>>
          %dma_start3A_123 = tpu.memref_squeeze %dma_start3A_122 : memref<1x128xi32, #tpu.memory_space<vmem>> -> memref<128xi32, #tpu.memory_space<vmem>>
          %dma_start3A_124 = arith.constant 0 : i32
          %dma_start3A_125 = arith.constant 0 : i32
          %dma_start3A_126 = tpu.memref_slice %arg2[%dma_start3A_124, %dma_start3A_125] : memref<30000x128xf32, #tpu.memory_space<hbm>> -> memref<30000x128xf32, #tpu.memory_space<hbm>>
          tpu.enqueue_indirect_dma source(%dma_start3A_126 : memref<30000x128xf32, #tpu.memory_space<hbm>>) target(%arg7 : memref<128x128xf32, #tpu.memory_space<vmem>>) offsets(%dma_start3A_123 : memref<128xi32, #tpu.memory_space<vmem>>) semaphore(%arg11 : memref<!tpu.dma_semaphore, #tpu.memory_space<semaphore_mem>>)
        } else {
        }
        %add3A_108 = arith.constant 1 : i32
        %add3A_109 = arith.addi %mul3A_92, %add3A_108 : i32
        %dma_wait3A_110 = arith.constant 0 : i32
        %dma_wait3A_111 = tpu.memref_slice %arg5[%add3A_109, %dma_wait3A_110] : memref<16x128xi32, #tpu.memory_space<vmem>> -> memref<1x128xi32, #tpu.memory_space<vmem>>
        %dma_wait3A_112 = tpu.memref_squeeze %dma_wait3A_111 : memref<1x128xi32, #tpu.memory_space<vmem>> -> memref<128xi32, #tpu.memory_space<vmem>>
        %dma_wait3A_113 = arith.constant 0 : i32
        %dma_wait3A_114 = arith.constant 0 : i32
        %dma_wait3A_115 = tpu.memref_slice %arg2[%dma_wait3A_113, %dma_wait3A_114] : memref<30000x128xf32, #tpu.memory_space<hbm>> -> memref<30000x128xf32, #tpu.memory_space<hbm>>
        tpu.wait_indirect_dma semaphore(%arg12 : memref<!tpu.dma_semaphore, #tpu.memory_space<semaphore_mem>>) src(%dma_wait3A_115 : memref<30000x128xf32, #tpu.memory_space<hbm>>) dst(%arg8 : memref<128x128xf32, #tpu.memory_space<vmem>>)
        %add3A_116 = arith.constant 1 : i32
        %add3A_117 = arith.addi %mul3A_92, %add3A_116 : i32
        "tpu.region"() ({
          %run_scoped3A = tpu.sem_alloc : memref<!tpu.dma_semaphore, #tpu.memory_space<semaphore_mem>>
          %dma_start3A_119 = arith.constant 0 : i32
          %dma_start3A_120 = tpu.memref_slice %arg6[%add3A_117, %dma_start3A_119] : memref<16x128xi32, #tpu.memory_space<vmem>> -> memref<1x128xi32, #tpu.memory_space<vmem>>
          %dma_start3A_121 = tpu.memref_squeeze %dma_start3A_120 : memref<1x128xi32, #tpu.memory_space<vmem>> -> memref<128xi32, #tpu.memory_space<vmem>>
          %dma_start3A_122 = arith.constant 0 : i32
          %dma_start3A_123 = arith.constant 0 : i32
          %dma_start3A_124 = tpu.memref_slice %arg10[%dma_start3A_122, %dma_start3A_123] : memref<10240x128xf32, #tpu.memory_space<vmem_shared>> -> memref<10240x128xf32, #tpu.memory_space<vmem_shared>>
          tpu.enqueue_indirect_dma source(%arg8 : memref<128x128xf32, #tpu.memory_space<vmem>>) target(%dma_start3A_124 : memref<10240x128xf32, #tpu.memory_space<vmem_shared>>) offsets(%dma_start3A_121 : memref<128xi32, #tpu.memory_space<vmem>>) semaphore(%run_scoped3A : memref<!tpu.dma_semaphore, #tpu.memory_space<semaphore_mem>>) {add = true}
          %dma_wait3A_125 = arith.constant 0 : i32
          %dma_wait3A_126 = tpu.memref_slice %arg6[%add3A_117, %dma_wait3A_125] : memref<16x128xi32, #tpu.memory_space<vmem>> -> memref<1x128xi32, #tpu.memory_space<vmem>>
          %dma_wait3A_127 = tpu.memref_squeeze %dma_wait3A_126 : memref<1x128xi32, #tpu.memory_space<vmem>> -> memref<128xi32, #tpu.memory_space<vmem>>
          %dma_wait3A_128 = arith.constant 0 : i32
          %dma_wait3A_129 = arith.constant 0 : i32
          %dma_wait3A_130 = tpu.memref_slice %arg10[%dma_wait3A_128, %dma_wait3A_129] : memref<10240x128xf32, #tpu.memory_space<vmem_shared>> -> memref<10240x128xf32, #tpu.memory_space<vmem_shared>>
          tpu.wait_indirect_dma semaphore(%run_scoped3A : memref<!tpu.dma_semaphore, #tpu.memory_space<semaphore_mem>>) src(%arg8 : memref<128x128xf32, #tpu.memory_space<vmem>>) dst(%dma_wait3A_130 : memref<10240x128xf32, #tpu.memory_space<vmem_shared>>)
          tpu.yield
        }) : () -> ()
        %scan3A_118 = arith.constant 0 : i32
        scf.yield %scan3A_118 : i32
      }
      %scan3A_87 = arith.constant 8 : i32
      %scan3A_88 = arith.constant 0 : i32
      scf.yield %scan3A_88 : i32
    }
    %scan3A_36 = arith.constant 5 : i32
    %barrier3A_37 = arith.constant 0 : index
    tpu.barrier barrier_id(%barrier3A_37)
    %scan3A_38 = arith.constant 0 : i32
    %scan3A_39 = arith.constant 0 : i32
    %scan3A_40 = arith.constant 5 : i32
    %scan3A_41 = arith.addi %scan3A_39, %scan3A_40 : i32
    %scan3A_42 = arith.constant 1 : i32
    %scan3A_43 = scf.for %scan3A_61 = %scan3A_39 to %scan3A_41 step %scan3A_42 iter_args(%scan3A_62 = %scan3A_38) -> (i32)  : i32 {
      %mul3A_63 = arith.constant 640 : i32
      %mul3A_64 = arith.muli %arg1, %mul3A_63 : i32
      %mul3A_65 = arith.constant 128 : i32
      %mul3A_66 = arith.muli %scan3A_61, %mul3A_65 : i32
      %add3A_67 = arith.addi %mul3A_64, %mul3A_66 : i32
      "tpu.region"() ({
        %run_scoped3A = tpu.sem_alloc : memref<!tpu.dma_semaphore, #tpu.memory_space<semaphore_mem>>
        %dma_start3A = arith.constant 0 : i32
        %dma_start3A_83 = tpu.memref_slice %arg10[%add3A_67, %dma_start3A] : memref<10240x128xf32, #tpu.memory_space<vmem_shared>> -> memref<128x128xf32, #tpu.memory_space<vmem_shared>>
        %dma_start3A_84 = arith.constant 0 : i32
        %dma_start3A_85 = tpu.memref_slice %arg10[%add3A_67, %dma_start3A_84] : memref<10240x128xf32, #tpu.memory_space<vmem_shared>> -> memref<128x128xf32, #tpu.memory_space<vmem_shared>>
        tpu.enqueue_dma source(%dma_start3A_85 : memref<128x128xf32, #tpu.memory_space<vmem_shared>>) target(%arg7 : memref<128x128xf32, #tpu.memory_space<vmem>>) target_semaphore(%run_scoped3A : memref<!tpu.dma_semaphore, #tpu.memory_space<semaphore_mem>>)
        %dma_wait3A = arith.constant 0 : i32
        %dma_wait3A_86 = tpu.memref_slice %arg10[%add3A_67, %dma_wait3A] : memref<10240x128xf32, #tpu.memory_space<vmem_shared>> -> memref<128x128xf32, #tpu.memory_space<vmem_shared>>
        %dma_wait3A_87 = arith.constant 0 : i32
        %dma_wait3A_88 = tpu.memref_slice %arg10[%add3A_67, %dma_wait3A_87] : memref<10240x128xf32, #tpu.memory_space<vmem_shared>> -> memref<128x128xf32, #tpu.memory_space<vmem_shared>>
        tpu.wait_dma2 semaphore(%run_scoped3A : memref<!tpu.dma_semaphore, #tpu.memory_space<semaphore_mem>>) src(%dma_wait3A_88 : memref<128x128xf32, #tpu.memory_space<vmem_shared>>) dst(%arg7 : memref<128x128xf32, #tpu.memory_space<vmem>>)
        tpu.yield
      }) : () -> ()
      %mul3A_68 = arith.constant 3 : i32
      %mul3A_69 = arith.muli %arg0, %mul3A_68 : i32
      %add3A_70 = arith.constant 1 : i32
      %add3A_71 = arith.addi %mul3A_69, %add3A_70 : i32
      %mul3A_72 = arith.constant 10240 : i32
      %mul3A_73 = arith.muli %add3A_71, %mul3A_72 : i32
      %add3A_74 = arith.addi %mul3A_73, %add3A_67 : i32
      "tpu.region"() ({
        %run_scoped3A = tpu.sem_alloc : memref<!tpu.dma_semaphore, #tpu.memory_space<semaphore_mem>>
        %dma_start3A = arith.constant 0 : i32
        %dma_start3A_83 = tpu.memref_slice %arg4[%add3A_74, %dma_start3A] : memref<61440x128xf32, #tpu.memory_space<hbm>> -> memref<128x128xf32, #tpu.memory_space<hbm>>
        %dma_start3A_84 = arith.constant 0 : i32
        %dma_start3A_85 = tpu.memref_slice %arg4[%add3A_74, %dma_start3A_84] : memref<61440x128xf32, #tpu.memory_space<hbm>> -> memref<128x128xf32, #tpu.memory_space<hbm>>
        tpu.enqueue_dma source(%arg7 : memref<128x128xf32, #tpu.memory_space<vmem>>) target(%dma_start3A_85 : memref<128x128xf32, #tpu.memory_space<hbm>>) target_semaphore(%run_scoped3A : memref<!tpu.dma_semaphore, #tpu.memory_space<semaphore_mem>>)
        %dma_wait3A = arith.constant 0 : i32
        %dma_wait3A_86 = tpu.memref_slice %arg4[%add3A_74, %dma_wait3A] : memref<61440x128xf32, #tpu.memory_space<hbm>> -> memref<128x128xf32, #tpu.memory_space<hbm>>
        %dma_wait3A_87 = arith.constant 0 : i32
        %dma_wait3A_88 = tpu.memref_slice %arg4[%add3A_74, %dma_wait3A_87] : memref<61440x128xf32, #tpu.memory_space<hbm>> -> memref<128x128xf32, #tpu.memory_space<hbm>>
        tpu.wait_dma2 semaphore(%run_scoped3A : memref<!tpu.dma_semaphore, #tpu.memory_space<semaphore_mem>>) src(%arg7 : memref<128x128xf32, #tpu.memory_space<vmem>>) dst(%dma_wait3A_88 : memref<128x128xf32, #tpu.memory_space<hbm>>)
        tpu.yield
      }) : () -> ()
      %scan3A_75 = arith.constant 0 : i32
      %scan3A_76 = arith.constant 0 : i32
      %scan3A_77 = arith.constant 4 : i32
      %scan3A_78 = arith.addi %scan3A_76, %scan3A_77 : i32
      %scan3A_79 = arith.constant 1 : i32
      %scan3A_80 = scf.for %scan3A_83 = %scan3A_76 to %scan3A_78 step %scan3A_79 iter_args(%scan3A_84 = %scan3A_75) -> (i32)  : i32 {
        %mul3A_85 = arith.constant 32 : i32
        %mul3A_86 = arith.muli %scan3A_83, %mul3A_85 : i32
        %add3A_87 = arith.addi %add3A_67, %mul3A_86 : i32
        "tpu.region"() ({
          %run_scoped3A = tpu.sem_alloc : memref<!tpu.dma_semaphore, #tpu.memory_space<semaphore_mem>>
          %dma_start3A = arith.constant 0 : i32
          %dma_start3A_89 = tpu.memref_slice %arg10[%add3A_87, %dma_start3A] : memref<10240x128xf32, #tpu.memory_space<vmem_shared>> -> memref<32x128xf32, #tpu.memory_space<vmem_shared>>
          %dma_start3A_90 = arith.constant 0 : i32
          %dma_start3A_91 = tpu.memref_slice %arg10[%add3A_87, %dma_start3A_90] : memref<10240x128xf32, #tpu.memory_space<vmem_shared>> -> memref<32x128xf32, #tpu.memory_space<vmem_shared>>
          tpu.enqueue_dma source(%arg9 : memref<32x128xf32, #tpu.memory_space<vmem>>) target(%dma_start3A_91 : memref<32x128xf32, #tpu.memory_space<vmem_shared>>) target_semaphore(%run_scoped3A : memref<!tpu.dma_semaphore, #tpu.memory_space<semaphore_mem>>)
          %dma_wait3A = arith.constant 0 : i32
          %dma_wait3A_92 = tpu.memref_slice %arg10[%add3A_87, %dma_wait3A] : memref<10240x128xf32, #tpu.memory_space<vmem_shared>> -> memref<32x128xf32, #tpu.memory_space<vmem_shared>>
          %dma_wait3A_93 = arith.constant 0 : i32
          %dma_wait3A_94 = tpu.memref_slice %arg10[%add3A_87, %dma_wait3A_93] : memref<10240x128xf32, #tpu.memory_space<vmem_shared>> -> memref<32x128xf32, #tpu.memory_space<vmem_shared>>
          tpu.wait_dma2 semaphore(%run_scoped3A : memref<!tpu.dma_semaphore, #tpu.memory_space<semaphore_mem>>) src(%arg9 : memref<32x128xf32, #tpu.memory_space<vmem>>) dst(%dma_wait3A_94 : memref<32x128xf32, #tpu.memory_space<vmem_shared>>)
          tpu.yield
        }) : () -> ()
        %scan3A_88 = arith.constant 0 : i32
        scf.yield %scan3A_88 : i32
      }
      %scan3A_81 = arith.constant 4 : i32
      %scan3A_82 = arith.constant 0 : i32
      scf.yield %scan3A_82 : i32
    }
    %scan3A_44 = arith.constant 5 : i32
    %barrier3A_45 = arith.constant 0 : index
    tpu.barrier barrier_id(%barrier3A_45)
    %scan3A_46 = arith.constant 0 : i32
    %scan3A_47 = arith.constant 0 : i32
    %scan3A_48 = arith.constant 5 : i32
    %scan3A_49 = arith.addi %scan3A_47, %scan3A_48 : i32
    %scan3A_50 = arith.constant 1 : i32
    %scan3A_51 = scf.for %scan3A_61 = %scan3A_47 to %scan3A_49 step %scan3A_50 iter_args(%scan3A_62 = %scan3A_46) -> (i32)  : i32 {
      %mul3A_63 = arith.constant 80 : i32
      %mul3A_64 = arith.muli %add3A, %mul3A_63 : i32
      %mul3A_65 = arith.constant 16 : i32
      %mul3A_66 = arith.muli %scan3A_61, %mul3A_65 : i32
      %add3A_67 = arith.addi %mul3A_64, %mul3A_66 : i32
      "tpu.region"() ({
        %run_scoped3A = tpu.sem_alloc : memref<!tpu.dma_semaphore, #tpu.memory_space<semaphore_mem>>
        %dma_start3A_89 = arith.constant 0 : i32
        %dma_start3A_90 = tpu.memref_slice %arg3[%add3A_67, %dma_start3A_89] : memref<2560x128xi32, #tpu.memory_space<hbm>> -> memref<16x128xi32, #tpu.memory_space<hbm>>
        %dma_start3A_91 = arith.constant 0 : i32
        %dma_start3A_92 = tpu.memref_slice %arg3[%add3A_67, %dma_start3A_91] : memref<2560x128xi32, #tpu.memory_space<hbm>> -> memref<16x128xi32, #tpu.memory_space<hbm>>
        tpu.enqueue_dma source(%dma_start3A_92 : memref<16x128xi32, #tpu.memory_space<hbm>>) target(%arg5 : memref<16x128xi32, #tpu.memory_space<vmem>>) target_semaphore(%run_scoped3A : memref<!tpu.dma_semaphore, #tpu.memory_space<semaphore_mem>>)
        %dma_wait3A = arith.constant 0 : i32
        %dma_wait3A_93 = tpu.memref_slice %arg3[%add3A_67, %dma_wait3A] : memref<2560x128xi32, #tpu.memory_space<hbm>> -> memref<16x128xi32, #tpu.memory_space<hbm>>
        %dma_wait3A_94 = arith.constant 0 : i32
        %dma_wait3A_95 = tpu.memref_slice %arg3[%add3A_67, %dma_wait3A_94] : memref<2560x128xi32, #tpu.memory_space<hbm>> -> memref<16x128xi32, #tpu.memory_space<hbm>>
        tpu.wait_dma2 semaphore(%run_scoped3A : memref<!tpu.dma_semaphore, #tpu.memory_space<semaphore_mem>>) src(%dma_wait3A_95 : memref<16x128xi32, #tpu.memory_space<hbm>>) dst(%arg5 : memref<16x128xi32, #tpu.memory_space<vmem>>)
        tpu.yield
      }) : () -> ()
      %scan3A_68 = arith.constant 0 : i32
      %scan3A_69 = arith.constant 0 : i32
      %scan3A_70 = arith.constant 128 : i32
      %scan3A_71 = arith.addi %scan3A_69, %scan3A_70 : i32
      %scan3A_72 = arith.constant 1 : i32
      %scan3A_73 = scf.for %scan3A_89 = %scan3A_69 to %scan3A_71 step %scan3A_72 iter_args(%scan3A_90 = %scan3A_68) -> (i32)  : i32 {
        %jit3A = arith.constant 8 : i32
        %div3A = arith.divsi %scan3A_89, %jit3A : i32
        %sign3A = arith.constant 0 : i32
        %sign3A_91 = arith.cmpi sgt, %scan3A_89, %sign3A : i32
        %sign3A_92 = arith.extui %sign3A_91 : i1 to i32
        %sign3A_93 = arith.constant 0 : i32
        %sign3A_94 = arith.cmpi slt, %scan3A_89, %sign3A_93 : i32
        %sign3A_95 = arith.extui %sign3A_94 : i1 to i32
        %sign3A_96 = arith.subi %sign3A_92, %sign3A_95 : i32
        %sign3A_97 = arith.constant 0 : i32
        %sign3A_98 = arith.cmpi sgt, %jit3A, %sign3A_97 : i32
        %sign3A_99 = arith.extui %sign3A_98 : i1 to i32
        %sign3A_100 = arith.constant 0 : i32
        %sign3A_101 = arith.cmpi slt, %jit3A, %sign3A_100 : i32
        %sign3A_102 = arith.extui %sign3A_101 : i1 to i32
        %sign3A_103 = arith.subi %sign3A_99, %sign3A_102 : i32
        %ne3A = arith.cmpi ne, %sign3A_96, %sign3A_103 : i32
        %rem3A = arith.remsi %scan3A_89, %jit3A : i32
        %ne3A_104 = arith.constant 0 : i32
        %ne3A_105 = arith.cmpi ne, %rem3A, %ne3A_104 : i32
        %and3A = arith.andi %ne3A, %ne3A_105 : i1
        %sub3A = arith.constant 1 : i32
        %sub3A_106 = arith.subi %div3A, %sub3A : i32
        %select_n3A = arith.select %and3A, %sub3A_106, %div3A : i32
        %jit3A_107 = arith.constant 8 : i32
        %eq3A = arith.constant 0 : i32
        %eq3A_108 = arith.cmpi eq, %jit3A_107, %eq3A : i32
        %jit3A_109 = arith.constant 1 : i32
        %select_n3A_110 = arith.select %eq3A_108, %jit3A_109, %jit3A_107 : i32
        %rem3A_111 = arith.remsi %scan3A_89, %select_n3A_110 : i32
        %ne3A_112 = arith.constant 0 : i32
        %ne3A_113 = arith.cmpi ne, %rem3A_111, %ne3A_112 : i32
        %lt3A = arith.constant 0 : i32
        %lt3A_114 = arith.cmpi slt, %rem3A_111, %lt3A : i32
        %lt3A_115 = arith.constant 0 : i32
        %lt3A_116 = arith.cmpi slt, %select_n3A_110, %lt3A_115 : i32
        %ne3A_117 = arith.xori %lt3A_114, %lt3A_116 : i1
        %and3A_118 = arith.andi %ne3A_117, %ne3A_113 : i1
        %add3A_119 = arith.addi %rem3A_111, %select_n3A_110 : i32
        %select_n3A_120 = arith.select %and3A_118, %add3A_119, %rem3A_111 : i32
        %mul3A_121 = arith.constant 16 : i32
        %mul3A_122 = arith.muli %select_n3A_120, %mul3A_121 : i32
        %get3A = arith.index_cast %select_n3A : i32 to index
        %get3A_123 = arith.index_cast %mul3A_122 : i32 to index
        %get3A_124 = tpu.vector_load %arg5[%get3A, %get3A_123] {strides = array<i32>} : memref<16x128xi32, #tpu.memory_space<vmem>>, vector<1x16xi32>,
        %get3A_125 = vector.shape_cast %get3A_124 : vector<1x16xi32> to vector<16xi32>
        %and3A_126 = arith.constant 65535 : i32
        %and3A_127 = vector.broadcast %and3A_126 : i32 to vector<16xi32>
        %and3A_128 = arith.andi %get3A_125, %and3A_127 : vector<16xi32>
        %swap3A = arith.index_cast %select_n3A : i32 to index
        %swap3A_129 = arith.index_cast %mul3A_122 : i32 to index
        %swap3A_130 = tpu.vector_load %arg6[%swap3A, %swap3A_129] {strides = array<i32>} : memref<16x128xi32, #tpu.memory_space<vmem>>, vector<1x16xi32>,
        %swap3A_131 = vector.shape_cast %swap3A_130 : vector<1x16xi32> to vector<16xi32>
        %swap3A_132 = vector.shape_cast %and3A_128 : vector<16xi32> to vector<1x16xi32>
        tpu.vector_store %arg6[%swap3A, %swap3A_129], %swap3A_132 {strides = array<i32>} : memref<16x128xi32, #tpu.memory_space<vmem>>, vector<1x16xi32>,
        %shift_right_logical3A = arith.constant 16 : i32
        %shift_right_logical3A_133 = vector.broadcast %shift_right_logical3A : i32 to vector<16xi32>
        %shift_right_logical3A_134 = arith.shrui %get3A_125, %shift_right_logical3A_133 : vector<16xi32>
        %add3A_135 = arith.constant 20000 : i32
        %add3A_136 = vector.broadcast %add3A_135 : i32 to vector<16xi32>
        %add3A_137 = arith.addi %shift_right_logical3A_134, %add3A_136 : vector<16xi32>
        %swap3A_138 = arith.index_cast %select_n3A : i32 to index
        %swap3A_139 = arith.index_cast %mul3A_122 : i32 to index
        %swap3A_140 = tpu.vector_load %arg5[%swap3A_138, %swap3A_139] {strides = array<i32>} : memref<16x128xi32, #tpu.memory_space<vmem>>, vector<1x16xi32>,
        %swap3A_141 = vector.shape_cast %swap3A_140 : vector<1x16xi32> to vector<16xi32>
        %swap3A_142 = vector.shape_cast %add3A_137 : vector<16xi32> to vector<1x16xi32>
        tpu.vector_store %arg5[%swap3A_138, %swap3A_139], %swap3A_142 {strides = array<i32>} : memref<16x128xi32, #tpu.memory_space<vmem>>, vector<1x16xi32>,
        %scan3A_143 = arith.constant 0 : i32
        scf.yield %scan3A_143 : i32
      }
      %scan3A_74 = arith.constant 128 : i32
      %dma_start3A = arith.constant 0 : i32
      %dma_start3A_75 = arith.constant 0 : i32
      %dma_start3A_76 = tpu.memref_slice %arg5[%dma_start3A, %dma_start3A_75] : memref<16x128xi32, #tpu.memory_space<vmem>> -> memref<1x128xi32, #tpu.memory_space<vmem>>
      %dma_start3A_77 = tpu.memref_squeeze %dma_start3A_76 : memref<1x128xi32, #tpu.memory_space<vmem>> -> memref<128xi32, #tpu.memory_space<vmem>>
      %dma_start3A_78 = arith.constant 0 : i32
      %dma_start3A_79 = arith.constant 0 : i32
      %dma_start3A_80 = tpu.memref_slice %arg2[%dma_start3A_78, %dma_start3A_79] : memref<30000x128xf32, #tpu.memory_space<hbm>> -> memref<30000x128xf32, #tpu.memory_space<hbm>>
      tpu.enqueue_indirect_dma source(%dma_start3A_80 : memref<30000x128xf32, #tpu.memory_space<hbm>>) target(%arg7 : memref<128x128xf32, #tpu.memory_space<vmem>>) offsets(%dma_start3A_77 : memref<128xi32, #tpu.memory_space<vmem>>) semaphore(%arg11 : memref<!tpu.dma_semaphore, #tpu.memory_space<semaphore_mem>>)
      %scan3A_81 = arith.constant 0 : i32
      %scan3A_82 = arith.constant 0 : i32
      %scan3A_83 = arith.constant 8 : i32
      %scan3A_84 = arith.addi %scan3A_82, %scan3A_83 : i32
      %scan3A_85 = arith.constant 1 : i32
      %scan3A_86 = scf.for %scan3A_89 = %scan3A_82 to %scan3A_84 step %scan3A_85 iter_args(%scan3A_90 = %scan3A_81) -> (i32)  : i32 {
        %mul3A_91 = arith.constant 2 : i32
        %mul3A_92 = arith.muli %scan3A_89, %mul3A_91 : i32
        %add3A_93 = arith.constant 1 : i32
        %add3A_94 = arith.addi %mul3A_92, %add3A_93 : i32
        %dma_start3A_95 = arith.constant 0 : i32
        %dma_start3A_96 = tpu.memref_slice %arg5[%add3A_94, %dma_start3A_95] : memref<16x128xi32, #tpu.memory_space<vmem>> -> memref<1x128xi32, #tpu.memory_space<vmem>>
        %dma_start3A_97 = tpu.memref_squeeze %dma_start3A_96 : memref<1x128xi32, #tpu.memory_space<vmem>> -> memref<128xi32, #tpu.memory_space<vmem>>
        %dma_start3A_98 = arith.constant 0 : i32
        %dma_start3A_99 = arith.constant 0 : i32
        %dma_start3A_100 = tpu.memref_slice %arg2[%dma_start3A_98, %dma_start3A_99] : memref<30000x128xf32, #tpu.memory_space<hbm>> -> memref<30000x128xf32, #tpu.memory_space<hbm>>
        tpu.enqueue_indirect_dma source(%dma_start3A_100 : memref<30000x128xf32, #tpu.memory_space<hbm>>) target(%arg8 : memref<128x128xf32, #tpu.memory_space<vmem>>) offsets(%dma_start3A_97 : memref<128xi32, #tpu.memory_space<vmem>>) semaphore(%arg12 : memref<!tpu.dma_semaphore, #tpu.memory_space<semaphore_mem>>)
        %dma_wait3A = arith.constant 0 : i32
        %dma_wait3A_101 = tpu.memref_slice %arg5[%mul3A_92, %dma_wait3A] : memref<16x128xi32, #tpu.memory_space<vmem>> -> memref<1x128xi32, #tpu.memory_space<vmem>>
        %dma_wait3A_102 = tpu.memref_squeeze %dma_wait3A_101 : memref<1x128xi32, #tpu.memory_space<vmem>> -> memref<128xi32, #tpu.memory_space<vmem>>
        %dma_wait3A_103 = arith.constant 0 : i32
        %dma_wait3A_104 = arith.constant 0 : i32
        %dma_wait3A_105 = tpu.memref_slice %arg2[%dma_wait3A_103, %dma_wait3A_104] : memref<30000x128xf32, #tpu.memory_space<hbm>> -> memref<30000x128xf32, #tpu.memory_space<hbm>>
        tpu.wait_indirect_dma semaphore(%arg11 : memref<!tpu.dma_semaphore, #tpu.memory_space<semaphore_mem>>) src(%dma_wait3A_105 : memref<30000x128xf32, #tpu.memory_space<hbm>>) dst(%arg7 : memref<128x128xf32, #tpu.memory_space<vmem>>)
        "tpu.region"() ({
          %run_scoped3A = tpu.sem_alloc : memref<!tpu.dma_semaphore, #tpu.memory_space<semaphore_mem>>
          %dma_start3A_119 = arith.constant 0 : i32
          %dma_start3A_120 = tpu.memref_slice %arg6[%mul3A_92, %dma_start3A_119] : memref<16x128xi32, #tpu.memory_space<vmem>> -> memref<1x128xi32, #tpu.memory_space<vmem>>
          %dma_start3A_121 = tpu.memref_squeeze %dma_start3A_120 : memref<1x128xi32, #tpu.memory_space<vmem>> -> memref<128xi32, #tpu.memory_space<vmem>>
          %dma_start3A_122 = arith.constant 0 : i32
          %dma_start3A_123 = arith.constant 0 : i32
          %dma_start3A_124 = tpu.memref_slice %arg10[%dma_start3A_122, %dma_start3A_123] : memref<10240x128xf32, #tpu.memory_space<vmem_shared>> -> memref<10240x128xf32, #tpu.memory_space<vmem_shared>>
          tpu.enqueue_indirect_dma source(%arg7 : memref<128x128xf32, #tpu.memory_space<vmem>>) target(%dma_start3A_124 : memref<10240x128xf32, #tpu.memory_space<vmem_shared>>) offsets(%dma_start3A_121 : memref<128xi32, #tpu.memory_space<vmem>>) semaphore(%run_scoped3A : memref<!tpu.dma_semaphore, #tpu.memory_space<semaphore_mem>>) {add = true}
          %dma_wait3A_125 = arith.constant 0 : i32
          %dma_wait3A_126 = tpu.memref_slice %arg6[%mul3A_92, %dma_wait3A_125] : memref<16x128xi32, #tpu.memory_space<vmem>> -> memref<1x128xi32, #tpu.memory_space<vmem>>
          %dma_wait3A_127 = tpu.memref_squeeze %dma_wait3A_126 : memref<1x128xi32, #tpu.memory_space<vmem>> -> memref<128xi32, #tpu.memory_space<vmem>>
          %dma_wait3A_128 = arith.constant 0 : i32
          %dma_wait3A_129 = arith.constant 0 : i32
          %dma_wait3A_130 = tpu.memref_slice %arg10[%dma_wait3A_128, %dma_wait3A_129] : memref<10240x128xf32, #tpu.memory_space<vmem_shared>> -> memref<10240x128xf32, #tpu.memory_space<vmem_shared>>
          tpu.wait_indirect_dma semaphore(%run_scoped3A : memref<!tpu.dma_semaphore, #tpu.memory_space<semaphore_mem>>) src(%arg7 : memref<128x128xf32, #tpu.memory_space<vmem>>) dst(%dma_wait3A_130 : memref<10240x128xf32, #tpu.memory_space<vmem_shared>>)
          tpu.yield
        }) : () -> ()
        %lt3A = arith.constant 7 : i32
        %lt3A_106 = arith.cmpi slt, %scan3A_89, %lt3A : i32
        %convert_element_type3A = arith.extui %lt3A_106 : i1 to i32
        %cond3A = arith.constant 0 : i32
        %cond3A_107 = arith.cmpi ne, %convert_element_type3A, %cond3A : i32
        scf.if %cond3A_107 {
          %add3A_119 = arith.constant 2 : i32
          %add3A_120 = arith.addi %mul3A_92, %add3A_119 : i32
          %dma_start3A_121 = arith.constant 0 : i32
          %dma_start3A_122 = tpu.memref_slice %arg5[%add3A_120, %dma_start3A_121] : memref<16x128xi32, #tpu.memory_space<vmem>> -> memref<1x128xi32, #tpu.memory_space<vmem>>
          %dma_start3A_123 = tpu.memref_squeeze %dma_start3A_122 : memref<1x128xi32, #tpu.memory_space<vmem>> -> memref<128xi32, #tpu.memory_space<vmem>>
          %dma_start3A_124 = arith.constant 0 : i32
          %dma_start3A_125 = arith.constant 0 : i32
          %dma_start3A_126 = tpu.memref_slice %arg2[%dma_start3A_124, %dma_start3A_125] : memref<30000x128xf32, #tpu.memory_space<hbm>> -> memref<30000x128xf32, #tpu.memory_space<hbm>>
          tpu.enqueue_indirect_dma source(%dma_start3A_126 : memref<30000x128xf32, #tpu.memory_space<hbm>>) target(%arg7 : memref<128x128xf32, #tpu.memory_space<vmem>>) offsets(%dma_start3A_123 : memref<128xi32, #tpu.memory_space<vmem>>) semaphore(%arg11 : memref<!tpu.dma_semaphore, #tpu.memory_space<semaphore_mem>>)
        } else {
        }
        %add3A_108 = arith.constant 1 : i32
        %add3A_109 = arith.addi %mul3A_92, %add3A_108 : i32
        %dma_wait3A_110 = arith.constant 0 : i32
        %dma_wait3A_111 = tpu.memref_slice %arg5[%add3A_109, %dma_wait3A_110] : memref<16x128xi32, #tpu.memory_space<vmem>> -> memref<1x128xi32, #tpu.memory_space<vmem>>
        %dma_wait3A_112 = tpu.memref_squeeze %dma_wait3A_111 : memref<1x128xi32, #tpu.memory_space<vmem>> -> memref<128xi32, #tpu.memory_space<vmem>>
        %dma_wait3A_113 = arith.constant 0 : i32
        %dma_wait3A_114 = arith.constant 0 : i32
        %dma_wait3A_115 = tpu.memref_slice %arg2[%dma_wait3A_113, %dma_wait3A_114] : memref<30000x128xf32, #tpu.memory_space<hbm>> -> memref<30000x128xf32, #tpu.memory_space<hbm>>
        tpu.wait_indirect_dma semaphore(%arg12 : memref<!tpu.dma_semaphore, #tpu.memory_space<semaphore_mem>>) src(%dma_wait3A_115 : memref<30000x128xf32, #tpu.memory_space<hbm>>) dst(%arg8 : memref<128x128xf32, #tpu.memory_space<vmem>>)
        %add3A_116 = arith.constant 1 : i32
        %add3A_117 = arith.addi %mul3A_92, %add3A_116 : i32
        "tpu.region"() ({
          %run_scoped3A = tpu.sem_alloc : memref<!tpu.dma_semaphore, #tpu.memory_space<semaphore_mem>>
          %dma_start3A_119 = arith.constant 0 : i32
          %dma_start3A_120 = tpu.memref_slice %arg6[%add3A_117, %dma_start3A_119] : memref<16x128xi32, #tpu.memory_space<vmem>> -> memref<1x128xi32, #tpu.memory_space<vmem>>
          %dma_start3A_121 = tpu.memref_squeeze %dma_start3A_120 : memref<1x128xi32, #tpu.memory_space<vmem>> -> memref<128xi32, #tpu.memory_space<vmem>>
          %dma_start3A_122 = arith.constant 0 : i32
          %dma_start3A_123 = arith.constant 0 : i32
          %dma_start3A_124 = tpu.memref_slice %arg10[%dma_start3A_122, %dma_start3A_123] : memref<10240x128xf32, #tpu.memory_space<vmem_shared>> -> memref<10240x128xf32, #tpu.memory_space<vmem_shared>>
          tpu.enqueue_indirect_dma source(%arg8 : memref<128x128xf32, #tpu.memory_space<vmem>>) target(%dma_start3A_124 : memref<10240x128xf32, #tpu.memory_space<vmem_shared>>) offsets(%dma_start3A_121 : memref<128xi32, #tpu.memory_space<vmem>>) semaphore(%run_scoped3A : memref<!tpu.dma_semaphore, #tpu.memory_space<semaphore_mem>>) {add = true}
          %dma_wait3A_125 = arith.constant 0 : i32
          %dma_wait3A_126 = tpu.memref_slice %arg6[%add3A_117, %dma_wait3A_125] : memref<16x128xi32, #tpu.memory_space<vmem>> -> memref<1x128xi32, #tpu.memory_space<vmem>>
          %dma_wait3A_127 = tpu.memref_squeeze %dma_wait3A_126 : memref<1x128xi32, #tpu.memory_space<vmem>> -> memref<128xi32, #tpu.memory_space<vmem>>
          %dma_wait3A_128 = arith.constant 0 : i32
          %dma_wait3A_129 = arith.constant 0 : i32
          %dma_wait3A_130 = tpu.memref_slice %arg10[%dma_wait3A_128, %dma_wait3A_129] : memref<10240x128xf32, #tpu.memory_space<vmem_shared>> -> memref<10240x128xf32, #tpu.memory_space<vmem_shared>>
          tpu.wait_indirect_dma semaphore(%run_scoped3A : memref<!tpu.dma_semaphore, #tpu.memory_space<semaphore_mem>>) src(%arg8 : memref<128x128xf32, #tpu.memory_space<vmem>>) dst(%dma_wait3A_130 : memref<10240x128xf32, #tpu.memory_space<vmem_shared>>)
          tpu.yield
        }) : () -> ()
        %scan3A_118 = arith.constant 0 : i32
        scf.yield %scan3A_118 : i32
      }
      %scan3A_87 = arith.constant 8 : i32
      %scan3A_88 = arith.constant 0 : i32
      scf.yield %scan3A_88 : i32
    }
    %scan3A_52 = arith.constant 5 : i32
    %barrier3A_53 = arith.constant 0 : index
    tpu.barrier barrier_id(%barrier3A_53)
    %scan3A_54 = arith.constant 0 : i32
    %scan3A_55 = arith.constant 0 : i32
    %scan3A_56 = arith.constant 5 : i32
    %scan3A_57 = arith.addi %scan3A_55, %scan3A_56 : i32
    %scan3A_58 = arith.constant 1 : i32
    %scan3A_59 = scf.for %scan3A_61 = %scan3A_55 to %scan3A_57 step %scan3A_58 iter_args(%scan3A_62 = %scan3A_54) -> (i32)  : i32 {
      %mul3A_63 = arith.constant 640 : i32
      %mul3A_64 = arith.muli %arg1, %mul3A_63 : i32
      %mul3A_65 = arith.constant 128 : i32
      %mul3A_66 = arith.muli %scan3A_61, %mul3A_65 : i32
      %add3A_67 = arith.addi %mul3A_64, %mul3A_66 : i32
      "tpu.region"() ({
        %run_scoped3A = tpu.sem_alloc : memref<!tpu.dma_semaphore, #tpu.memory_space<semaphore_mem>>
        %dma_start3A = arith.constant 0 : i32
        %dma_start3A_76 = tpu.memref_slice %arg10[%add3A_67, %dma_start3A] : memref<10240x128xf32, #tpu.memory_space<vmem_shared>> -> memref<128x128xf32, #tpu.memory_space<vmem_shared>>
        %dma_start3A_77 = arith.constant 0 : i32
        %dma_start3A_78 = tpu.memref_slice %arg10[%add3A_67, %dma_start3A_77] : memref<10240x128xf32, #tpu.memory_space<vmem_shared>> -> memref<128x128xf32, #tpu.memory_space<vmem_shared>>
        tpu.enqueue_dma source(%dma_start3A_78 : memref<128x128xf32, #tpu.memory_space<vmem_shared>>) target(%arg7 : memref<128x128xf32, #tpu.memory_space<vmem>>) target_semaphore(%run_scoped3A : memref<!tpu.dma_semaphore, #tpu.memory_space<semaphore_mem>>)
        %dma_wait3A = arith.constant 0 : i32
        %dma_wait3A_79 = tpu.memref_slice %arg10[%add3A_67, %dma_wait3A] : memref<10240x128xf32, #tpu.memory_space<vmem_shared>> -> memref<128x128xf32, #tpu.memory_space<vmem_shared>>
        %dma_wait3A_80 = arith.constant 0 : i32
        %dma_wait3A_81 = tpu.memref_slice %arg10[%add3A_67, %dma_wait3A_80] : memref<10240x128xf32, #tpu.memory_space<vmem_shared>> -> memref<128x128xf32, #tpu.memory_space<vmem_shared>>
        tpu.wait_dma2 semaphore(%run_scoped3A : memref<!tpu.dma_semaphore, #tpu.memory_space<semaphore_mem>>) src(%dma_wait3A_81 : memref<128x128xf32, #tpu.memory_space<vmem_shared>>) dst(%arg7 : memref<128x128xf32, #tpu.memory_space<vmem>>)
        tpu.yield
      }) : () -> ()
      %mul3A_68 = arith.constant 3 : i32
      %mul3A_69 = arith.muli %arg0, %mul3A_68 : i32
      %add3A_70 = arith.constant 2 : i32
      %add3A_71 = arith.addi %mul3A_69, %add3A_70 : i32
      %mul3A_72 = arith.constant 10240 : i32
      %mul3A_73 = arith.muli %add3A_71, %mul3A_72 : i32
      %add3A_74 = arith.addi %mul3A_73, %add3A_67 : i32
      "tpu.region"() ({
        %run_scoped3A = tpu.sem_alloc : memref<!tpu.dma_semaphore, #tpu.memory_space<semaphore_mem>>
        %dma_start3A = arith.constant 0 : i32
        %dma_start3A_76 = tpu.memref_slice %arg4[%add3A_74, %dma_start3A] : memref<61440x128xf32, #tpu.memory_space<hbm>> -> memref<128x128xf32, #tpu.memory_space<hbm>>
        %dma_start3A_77 = arith.constant 0 : i32
        %dma_start3A_78 = tpu.memref_slice %arg4[%add3A_74, %dma_start3A_77] : memref<61440x128xf32, #tpu.memory_space<hbm>> -> memref<128x128xf32, #tpu.memory_space<hbm>>
        tpu.enqueue_dma source(%arg7 : memref<128x128xf32, #tpu.memory_space<vmem>>) target(%dma_start3A_78 : memref<128x128xf32, #tpu.memory_space<hbm>>) target_semaphore(%run_scoped3A : memref<!tpu.dma_semaphore, #tpu.memory_space<semaphore_mem>>)
        %dma_wait3A = arith.constant 0 : i32
        %dma_wait3A_79 = tpu.memref_slice %arg4[%add3A_74, %dma_wait3A] : memref<61440x128xf32, #tpu.memory_space<hbm>> -> memref<128x128xf32, #tpu.memory_space<hbm>>
        %dma_wait3A_80 = arith.constant 0 : i32
        %dma_wait3A_81 = tpu.memref_slice %arg4[%add3A_74, %dma_wait3A_80] : memref<61440x128xf32, #tpu.memory_space<hbm>> -> memref<128x128xf32, #tpu.memory_space<hbm>>
        tpu.wait_dma2 semaphore(%run_scoped3A : memref<!tpu.dma_semaphore, #tpu.memory_space<semaphore_mem>>) src(%arg7 : memref<128x128xf32, #tpu.memory_space<vmem>>) dst(%dma_wait3A_81 : memref<128x128xf32, #tpu.memory_space<hbm>>)
        tpu.yield
      }) : () -> ()
      %scan3A_75 = arith.constant 0 : i32
      scf.yield %scan3A_75 : i32
    }
    %scan3A_60 = arith.constant 5 : i32
    return
  }
}

module attributes {stable_mosaic.version = 14 : i64} {
  func.func @body(%arg0: i32, %arg1: i32, %arg2: memref<1x2000x128xf32, #tpu.memory_space<vmem>>, %arg3: memref<1x2000x128xf32, #tpu.memory_space<vmem>>, %arg4: memref<1x2000x128xf32, #tpu.memory_space<vmem>>, %arg5: memref<2000x1xf32, #tpu.memory_space<vmem>>, %arg6: memref<128x128xf32, #tpu.memory_space<vmem>>, %arg7: memref<128x128xf32, #tpu.memory_space<vmem>>, %arg8: memref<1x2000x128xf32, #tpu.memory_space<vmem>>) attributes {dimension_semantics = [#tpu.dimension_semantics<arbitrary>, #tpu.dimension_semantics<arbitrary>], iteration_bounds = array<i64: 3, 5>, scalar_prefetch = 0 : i64, scratch_operands = 0 : i64, tpu.core_type = #tpu.core_type<tc>, window_params = [{transform_indices = @transform_0, window_bounds = array<i64: 1, 2000, 128>}, {transform_indices = @transform_1, window_bounds = array<i64: 1, 2000, 128>}, {transform_indices = @transform_2, window_bounds = array<i64: 1, 2000, 128>}, {transform_indices = @transform_3, window_bounds = array<i64: 2000, 1>}, {pipeline_mode = #tpu.pipeline_mode<synchronous>, transform_indices = @transform_4, window_bounds = array<i64: 128, 128>}, {pipeline_mode = #tpu.pipeline_mode<synchronous>, transform_indices = @transform_5, window_bounds = array<i64: 128, 128>}, {transform_indices = @transform_6, window_bounds = array<i64: 1, 2000, 128>}]} {
    %get3A = arith.constant 0 : index
    %get3A_0 = arith.constant 0 : index
    %get3A_1 = arith.constant 0 : index
    %get3A_2 = vector.load %arg2[%get3A, %get3A_0, %get3A_1] : memref<1x2000x128xf32, #tpu.memory_space<vmem>>, vector<1x2000x128xf32>
    %get3A_3 = vector.shape_cast %get3A_2 : vector<1x2000x128xf32> to vector<2000x128xf32>
    %get3A_4 = arith.constant 0 : index
    %get3A_5 = arith.constant 0 : index
    %get3A_6 = vector.load %arg6[%get3A_4, %get3A_5] : memref<128x128xf32, #tpu.memory_space<vmem>>, vector<128x128xf32>
    %dot_general3A = arith.constant dense<0.000000e+00> : vector<2000x128xf32>
    %dot_general3A_7 = tpu.matmul %get3A_3, %get3A_6, %dot_general3A {dimension_numbers = #tpu.dot_dimension_numbers<[1], [0], [0], [1], [0, 0, 1, 1], [], []>, transpose_lhs_hint = false} : vector<2000x128xf32>, vector<128x128xf32>, vector<2000x128xf32> -> vector<2000x128xf32>
    %get3A_8 = arith.constant 0 : index
    %get3A_9 = arith.constant 0 : index
    %get3A_10 = arith.constant 0 : index
    %get3A_11 = vector.load %arg3[%get3A_8, %get3A_9, %get3A_10] : memref<1x2000x128xf32, #tpu.memory_space<vmem>>, vector<1x2000x128xf32>
    %get3A_12 = vector.shape_cast %get3A_11 : vector<1x2000x128xf32> to vector<2000x128xf32>
    %get3A_13 = arith.constant 0 : index
    %get3A_14 = arith.constant 0 : index
    %get3A_15 = arith.constant 0 : index
    %get3A_16 = vector.load %arg4[%get3A_13, %get3A_14, %get3A_15] : memref<1x2000x128xf32, #tpu.memory_space<vmem>>, vector<1x2000x128xf32>
    %get3A_17 = vector.shape_cast %get3A_16 : vector<1x2000x128xf32> to vector<2000x128xf32>
    %add3A = arith.addf %get3A_12, %get3A_17 : vector<2000x128xf32>
    %get3A_18 = arith.constant 0 : index
    %get3A_19 = arith.constant 0 : index
    %get3A_20 = vector.load %arg7[%get3A_18, %get3A_19] : memref<128x128xf32, #tpu.memory_space<vmem>>, vector<128x128xf32>
    %dot_general3A_21 = arith.constant dense<0.000000e+00> : vector<2000x128xf32>
    %dot_general3A_22 = tpu.matmul %add3A, %get3A_20, %dot_general3A_21 {dimension_numbers = #tpu.dot_dimension_numbers<[1], [0], [0], [1], [0, 0, 1, 1], [], []>, transpose_lhs_hint = false} : vector<2000x128xf32>, vector<128x128xf32>, vector<2000x128xf32> -> vector<2000x128xf32>
    %get3A_23 = arith.constant 0 : index
    %get3A_24 = arith.constant 0 : index
    %get3A_25 = vector.load %arg5[%get3A_23, %get3A_24] : memref<2000x1xf32, #tpu.memory_space<vmem>>, vector<2000x1xf32>
    %mul3A = vector.broadcast %get3A_25 : vector<2000x1xf32> to vector<2000x128xf32>
    %mul3A_26 = arith.mulf %mul3A, %dot_general3A_22 : vector<2000x128xf32>
    %add3A_27 = arith.addf %dot_general3A_7, %mul3A_26 : vector<2000x128xf32>
    %mul3A_28 = arith.constant 0.707106769 : f32
    %mul3A_29 = vector.broadcast %mul3A_28 : f32 to vector<2000x128xf32>
    %mul3A_30 = arith.mulf %add3A_27, %mul3A_29 : vector<2000x128xf32>
    %swap3A = arith.constant 0 : index
    %swap3A_31 = arith.constant 0 : index
    %swap3A_32 = arith.constant 0 : index
    %swap3A_33 = vector.load %arg8[%swap3A, %swap3A_31, %swap3A_32] : memref<1x2000x128xf32, #tpu.memory_space<vmem>>, vector<1x2000x128xf32>
    %swap3A_34 = vector.shape_cast %swap3A_33 : vector<1x2000x128xf32> to vector<2000x128xf32>
    %swap3A_35 = vector.shape_cast %mul3A_30 : vector<2000x128xf32> to vector<1x2000x128xf32>
    tpu.vector_store %arg8[%swap3A, %swap3A_31, %swap3A_32], %swap3A_35 {strides = array<i32>} : memref<1x2000x128xf32, #tpu.memory_space<vmem>>, vector<1x2000x128xf32>,
    return
  }
  func.func @transform_0(%arg0: i32, %arg1: i32) -> (i32, i32, i32) {
    %c0_i32 = arith.constant 0 : i32
    %c0_i32_0 = arith.constant 0 : i32
    return %arg0, %arg1, %c0_i32 : i32, i32, i32
  }
  func.func @transform_1(%arg0: i32, %arg1: i32) -> (i32, i32, i32) {
    %c0_i32 = arith.constant 0 : i32
    %c0_i32_0 = arith.constant 0 : i32
    return %arg0, %arg1, %c0_i32 : i32, i32, i32
  }
  func.func @transform_2(%arg0: i32, %arg1: i32) -> (i32, i32, i32) {
    %add3A = arith.constant 3 : i32
    %add3A_0 = arith.addi %add3A, %arg0 : i32
    %c0_i32 = arith.constant 0 : i32
    %c0_i32_1 = arith.constant 0 : i32
    return %add3A_0, %arg1, %c0_i32 : i32, i32, i32
  }
  func.func @transform_3(%arg0: i32, %arg1: i32) -> (i32, i32) {
    %c0_i32 = arith.constant 0 : i32
    %c0_i32_0 = arith.constant 0 : i32
    return %arg1, %c0_i32 : i32, i32
  }
  func.func @transform_4(%arg0: i32, %arg1: i32) -> (i32, i32) {
    %c0_i32 = arith.constant 0 : i32
    %c0_i32_0 = arith.constant 0 : i32
    %c0_i32_1 = arith.constant 0 : i32
    return %c0_i32, %c0_i32_0 : i32, i32
  }
  func.func @transform_5(%arg0: i32, %arg1: i32) -> (i32, i32) {
    %c0_i32 = arith.constant 0 : i32
    %c0_i32_0 = arith.constant 0 : i32
    %c0_i32_1 = arith.constant 0 : i32
    return %c0_i32, %c0_i32_0 : i32, i32
  }
  func.func @transform_6(%arg0: i32, %arg1: i32) -> (i32, i32, i32) {
    %c0_i32 = arith.constant 0 : i32
    %c0_i32_0 = arith.constant 0 : i32
    return %arg0, %arg1, %c0_i32 : i32, i32, i32
  }
}

</mosaic_0001>

<sc_bundles>
// kernel: kernel.4.cloned.1.call-start
scs
__scs_entry_jumppad:
0x0: {  	(pc) =	sbr.rel $0x88, $3  }
0x1: {  	(tag) =	ssettag $0x0;
	lr =	simm.s32 $0x1  }
0x2: {  	[smem:$0x3F9B] =	sst lr;
	_ =	strace $0xD0000000  }
0x3: {  	_ = 	snop  }
0x4: {  	_ = 	snop  }
0x5: {  	_ = 	snop  }
0x6: {  	_ = 	snop  }
0x7: {  	_ = 	snop  }
__scs_overlays_trampoline_lowered:
0x8: {  	[smem:$0x3FAA] =	sst s0  }
0x9: {  	[smem:$0x3FAB] =	sst s1  }
0xa: {  	[smem:$0x3FAC] =	sst s2  }
0xb: {  	[smem:$0x3FAD] =	sst s3  }
0xc: {  	[smem:$0x3FAE] =	sst s4  }
0xd: {  	[smem:$0x3FAF] =	sst s5  }
0xe: {  	[smem:$0x3FB0] =	sst s6  }
0xf: {  	[smem:$0x3FB1] =	sst s7  }
0x10: {  	[smem:$0x3FB2] =	sst s8  }
0x11: {  	[smem:$0x3FB3] =	sst s9;
	s0 =	simm.s32 @!p0 $0x0  }
0x12: {  	s1 =	sld [smem:$0x3F99];
	s0 =	simm.s32 @p0 $0x1  }
0x13: {  	[smem:$0x3FB4] =	sst s0;
	s0 =	simm.s32 @!p1 $0x0  }
0x14: {  	s2 =	sld [smem:$0x3F98];
	s0 =	simm.s32 @p1 $0x1  }
0x15: {  	[smem:$0x3FB5] =	sst s0;
	s0 =	simm.s32 @!p2 $0x0  }
0x16: {  	s3 =	sld [smem:$0x3FDB];
	s0 =	simm.s32 @p2 $0x1  }
0x17: {  	s4 =	simm.s32 $0x1BF5;
	[smem:$0x3FB7] =	sst s0  }
0x18: {  	s0 =	sld [smem:$0x3F9A];
	_ =	swait.ge [sflag:s4], $0x0  }
0x19: {  	s7 =	sld [smem:$0x3F9B]  }
0x1a: {  	s8 =	sadd.s32 $0xFFFFE003, lr  }
0x1b: {  	s9 =	sadd.s32 $0xFFFFFEF7, lr;
	s5 =	simm.s32 $0xFFFFFFFF;
	p2 =	slt.u32 s8, $0xFFFFF086  }
0x1c: {  	p1 =	slt.u32 s9, $0xF7A;
	s5 =	simm.s32 @!p2 $0x0  }
0x1d: {  	s5 =	simm.s32 @p1 $0x1;
	p0 =	seq.s32 s7, s2  }
0x1e: {  	s7 =	smul.u32 @!p0 $0xF7A, s2;
	p2 =	seq.s32 @!p0 s5, $0x0  }
0x1f: {  	s9 =	smul.u32 $0xF7A, s1;
	s8 =	simm.s32 @!p0 $0x1BF5;
	p2 =	por !p2, p0  }
0x20: {  	[sflag:s8] =	ssyncset.s32 @!p0 $0xFFFFF086;
	s6 =	sadd.s32 @!p0 s3, s7;
	s7 =	simm.s32 @!p0 $0x108  }
0x21: {  	s3 =	sadd.s32 s3, s9;
	s6 =	sadd.s32 @!p0 $0x88, s6;
	s7 =	simm.s32 @p2 $0x1082  }
0x22: {  	[simem:s7], [sflag:s8] =	dma.local @!p0 [hbm:s6], $0xF7A  }
0x23: {  	s9 =	sor.u32 $0xD0000000, s2;
	s6 =	simm.s32 $0x108;
	_ =	swait.ge @!p0 [sflag:s8], $0x0  }
0x24: {  	s3 =	sadd.s32 $0x88, s3;
	s6 =	simm.s32 @!p1 $0x1082;
	[sflag:s4] =	ssyncset.s32 $0xFFFFF086  }
0x25: {  	[simem:s6], [sflag:s4] =	dma.local [hbm:s3], $0xF7A  }
0x26: {  	[smem:$0x3F9B] =	sst s1;
	(tag) =	ssettag s2;
	_ =	strace s9  }
0x27: {  	s1 =	sld [smem:$0x3FAB]  }
0x28: {  	s2 =	sld [smem:$0x3FAC]  }
0x29: {  	s4 =	sld [smem:$0x3FAE]  }
0x2a: {  	p0 =	seq.s32 s5, $0x0;
	s5 =	sld [smem:$0x3FAF]  }
0x2b: {  	s6 =	sld [smem:$0x3FB0]  }
0x2c: {  	s7 =	sld [smem:$0x3FB1]  }
0x2d: {  	s3 =	simm.s32 $0x108;
	s8 =	sld [smem:$0x3FB2]  }
0x2e: {  	s3 =	simm.s32 @!p0 $0x1082;
	s9 =	sld [smem:$0x3FB3]  }
0x2f: {  	lr =	sadd.s32 s0, s3;
	s0 =	sld [smem:$0x3FAA]  }
0x30: {  	s3 =	sld [smem:$0x3FAD]  }
0x31: {  	[smem:$0x3FB6] =	sst s10  }
0x32: {  	s10 =	sld [smem:$0x3FB4];
	_ =	sdelay $0x3  }
0x33: {  	p0 =	seq.s32 s10, $0x1;
	s10 =	sld [smem:$0x3FB6];
	_ =	sdelay $0x3  }
0x34: {  	[smem:$0x3FB6] =	sst s10  }
0x35: {  	s10 =	sld [smem:$0x3FB5];
	_ =	sdelay $0x3  }
0x36: {  	p1 =	seq.s32 s10, $0x1;
	s10 =	sld [smem:$0x3FB6];
	_ =	sdelay $0x3  }
0x37: {  	[smem:$0x3FB6] =	sst s10  }
0x38: {  	s10 =	sld [smem:$0x3FB7]  }
0x39: {  	_ = 	snop;
	(pc) =	sbr.ind lr, $3  }
0x3a: {  	_ = 	snop  }
0x3b: {  	_ = 	snop  }
0x3c: {  	p2 =	seq.s32 s10, $0x1;
	s10 =	sld [smem:$0x3FB6]  }
0x3d: {  	_ =	shalt  }
0x3e: {  	_ =	shalt  }
0x3f: {  	_ =	shalt  }
0x40: {  	_ =	shalt  }
0x41: {  	_ =	shalt  }
0x42: {  	_ =	shalt  }
0x43: {  	_ =	shalt  }
0x44: {  	_ =	shalt  }
0x45: {  	_ =	shalt  }
0x46: {  	_ =	shalt  }
0x47: {  	_ =	shalt  }
0x48: {  	_ =	shalt  }
0x49: {  	_ =	shalt  }
0x4a: {  	_ =	shalt  }
0x4b: {  	_ =	shalt  }
0x4c: {  	_ =	shalt  }
0x4d: {  	_ =	shalt  }
0x4e: {  	_ =	shalt  }
0x4f: {  	_ =	shalt  }
0x50: {  	_ =	shalt  }
0x51: {  	_ =	shalt  }
0x52: {  	_ =	shalt  }
0x53: {  	_ =	shalt  }
0x54: {  	_ =	shalt  }
0x55: {  	_ =	shalt  }
0x56: {  	_ =	shalt  }
0x57: {  	_ =	shalt  }
0x58: {  	_ =	shalt  }
0x59: {  	_ =	shalt  }
0x5a: {  	_ =	shalt  }
0x5b: {  	_ =	shalt  }
0x5c: {  	_ =	shalt  }
0x5d: {  	_ =	shalt  }
0x5e: {  	_ =	shalt  }
0x5f: {  	_ =	shalt  }
0x60: {  	_ =	shalt  }
0x61: {  	_ =	shalt  }
0x62: {  	_ =	shalt  }
0x63: {  	_ =	shalt  }
0x64: {  	_ =	shalt  }
0x65: {  	_ =	shalt  }
0x66: {  	_ =	shalt  }
0x67: {  	_ =	shalt  }
0x68: {  	_ =	shalt  }
0x69: {  	_ =	shalt  }
0x6a: {  	_ =	shalt  }
0x6b: {  	_ =	shalt  }
0x6c: {  	_ =	shalt  }
0x6d: {  	_ =	shalt  }
0x6e: {  	_ =	shalt  }
0x6f: {  	_ =	shalt  }
0x70: {  	_ =	shalt  }
0x71: {  	_ =	shalt  }
0x72: {  	_ =	shalt  }
0x73: {  	_ =	shalt  }
0x74: {  	_ =	shalt  }
0x75: {  	_ =	shalt  }
0x76: {  	_ =	shalt  }
0x77: {  	_ =	shalt  }
0x78: {  	_ =	shalt  }
0x79: {  	_ =	shalt  }
0x7a: {  	_ =	shalt  }
0x7b: {  	_ =	shalt  }
0x7c: {  	_ =	shalt  }
0x7d: {  	_ =	shalt  }
0x7e: {  	_ =	shalt  }
0x7f: {  	_ =	shalt  }
0x80: {  	_ =	shalt  }
0x81: {  	_ =	shalt  }
0x82: {  	_ =	shalt  }
0x83: {  	_ =	shalt  }
0x84: {  	_ =	shalt  }
0x85: {  	_ =	shalt  }
0x86: {  	_ =	shalt  }
0x87: {  	_ =	shalt  }
.Lfunc_end0:
.L_simem_size_0:
called_computation_lowered:
.L_overlay_start_0:
0x88: {  	s2 =	sld [smem:$0x3FD9]  }
0x89: {  	s3 =	sld [smem:$0x3FFE];
	_ =	sdelay $0x1  }
0x8a: {  	s1 =	srdreg.scid  }
0x8b: {  	s0 =	sand.u32 $0x1, s1  }
0x8c: {  	s17 =	sshll.u32 s0, $0xA;
	s2 =	sadd.s32 s3, s2  }
0x8d: {  	s2 =	sadd.s32 s2, s17  }
0x8e: {  	[smem:$0x3FC2] =	sst s2  }
0x8f: {  	_ = 	snop  }
0x90: {  	s2 =	sld [smem:$0x3FC9]  }
0x91: {  	s18 =	sld [smem:$0x3FD0];
	(tm) =	ssettm $0x1  }
0x92: {  	s4 =	sld [smem:$0x3FFB];
	_ =	sdelay $0x3  }
0x93: {  	_ =	strace s4  }
0x94: {  	s4 =	sld [smem:$0x3FFC];
	_ =	sdelay $0x3  }
0x95: {  	_ =	strace s4  }
0x96: {  	s4 =	sld [smem:$0x3FFD];
	_ =	sdelay $0x3  }
0x97: {  	_ =	strace s4  }
0x98: {  	_ =	strace $0x8FFFFFFF  }
0x99: {  	s19 =	sld [smem:$0x3FDB];
	_ =	sdelay $0x1  }
0x9a: {  	s5 =	simm.s32 $_scs_section_size  }
0x9b: {  	s6 =	simm.s32 $_size__tile_overlayer_lowered;
	s7 =	simm.s32 $_tile_overlayer_lowered  }
0x9c: {  	s22 =	simm.s32 $0x1BFF;
	s21 =	sshll.u32 s7, $0x1;
	s4 =	sadd.s32 s5, s19  }
0x9d: {  	s8 =	simm.s32 $0x0;
	s20 =	sshll.u32 s6, $0x1;
	s6 =	sadd.s32 s21, s4  }
0x9e: {  	[timem:s8], [sflag:s22] =	dma.local [hbm:s6], s20  }
0x9f: {  	_ =	swait.ge [sflag:s22], s20  }
0xa0: {  	s5 =	ssub.s32 $0x0, s20;
	[sflag:s22] =	ssyncset.done $0x0  }
0xa1: {  	[sflag:s22] =	ssyncadd.s32 s5;
	_ =	sdelay $0x1  }
0xa2: {  	s23 =	simm.s32 $0x1B8B  }
0xa3: {  	_ =	swait.ge [sflag:s23], $0x1  }
0xa4: {  	[sflag:s23] =	ssyncset.done $0x0  }
0xa5: {  	s25 =	simm.s32 $0x1B8E;
	s24 =	sld [smem:$0x3FFE];
	[sflag:s23] =	ssyncadd.s32 $0xFFFFFFFF  }
0xa6: {  	s26 =	simm.s32 $execute0_lowered;
	[smem:$0x3FD2] =	sst s25  }
0xa7: {  	s6 =	sshll.u32 s26, $0x1;
	_ =	strace $0x80000046;
	[dreg:$0x1] =	wrdreg $0xFFFFFFFF  }
0xa8: {  	s28 =	simm.s32 $_size_execute0_lowered;
	s4 =	sadd.s32 s4, s6;
	[dreg:$0x0] =	wrdreg $0x0  }
0xa9: {  	s6 =	sshll.u32 s28, $0x1;
	[dreg:$0x2] =	wrdreg s4  }
0xaa: {  	[dreg:$0x3] =	wrdreg s6  }
0xab: {  	[dreg:$0x4] =	wrdreg $0xC0  }
0xac: {  	_ =	task [dreg:s8], $0x5FFFF  }
0xad: {  	[dreg:$0x1] =	wrdreg $0xFFFFFFFF  }
0xae: {  	[dreg:$0x0] =	wrdreg $0x60  }
0xaf: {  	[dreg:$0x2] =	wrdreg s2  }
0xb0: {  	[dreg:$0x3] =	wrdreg s18  }
0xb1: {  	[dreg:$0x4] =	wrdreg s24  }
0xb2: {  	[dreg:$0x5] =	wrdreg $0xA0000  }
0xb3: {  	[dreg:$0x6] =	wrdreg $0x9  }
0xb4: {  	_ =	task.clear_ibuf [dreg:s8], $0x7FFFF;
	_ =	strace $0x90000046  }
0xb5: {  	s29 =	simm.s32 $0x9;
	_ =	strace $0x80000048  }
0xb6: {  	_ =	swait.ge [sflag:s29], $0x1  }
0xb7: {  	[sflag:s29] =	ssyncadd.s32 $0xFFFFFFFF  }
0xb8: {  	_ =	strace $0x90000048  }
0xb9: {  	_ =	sfence  }
0xba: {  	s30 =	sld [smem:$0x0];
	_ =	sdelay $0x2  }
0xbb: {  	s31 =	sshll.u32 s1, $0xD;
	s1 =	sshrl.u32 s1, $0x2  }
0xbc: {  	s3 =	sand.u32 $0x4000, s31;
	s1 =	sadd.s32 s1, s30  }
0xbd: {  	s0 =	sor.u32 s3, s0;
	s1 =	sshll.u32 s1, $0x11  }
0xbe: {  	s0 =	sor.u32 s1, s0  }
0xbf: {  	s0 =	sadd.s32 $0x8F2B, s0  }
0xc0: {  	[sflag:s0] =	ssyncadd.remote.s32 $0x1  }
0xc1: {  	_ =	sfence.sel $0xFFFF  }
0xc2: {  	[dreg:$0x0] =	wrdreg $0xFFFFFFFF;
	(pc) =	sbr.abs _section_cstart, $3  }
0xc3: {  	[dreg:$0x1] =	wrdreg $0xFFFFFFFF  }
0xc4: {  	_ =	task.clear_ibuf [dreg:s8], $0x2FFFF;
	_ =	strace $0x9FFFFFFF  }
0xc5: {  	(tm) =	ssettm $0x7FFFFFFF  }
tec
execute0_lowered:
.L_overlay_start_1:
0x0: {  	(tag) =	ssettag $0x1  }
0x1: {  	s1 =	rddreg [dreg:$0x0];
	s0 =	srdreg.scid  }
0x2: {  	s30 =	rddreg [dreg:$0x1];
	s14 =	stileid.u32  }
0x3: {  	s2 =	rddreg [dreg:$0x2];
	s31 =	simm.s32 $0x0;
	s0 =	sand.u32 $0x1, s0  }
0x4: {  	s4 =	smul.u32 $0x280, s14;
	[smem:$0x7FF] =	sst s31;
	s3 =	ssub.s32 $0x2, s0  }
0x5: {  	s2 =	sadd.s32 $0x1A00, s2;
	s6 =	smul.u32 $0x7800, s0;
	s5 =	sshrl.u32 s3, $0x1  }
0x6: {  	s8 =	sadd.s32 $0x80, s4;
	s11 =	sadd.s32 $0x180, s4;
	s13 =	sadd.s32 $0x200, s4  }
0x7: {  	s3 =	ssub.s32 s3, s5;
	s23 =	sadd.s32 $0x2800, s6;
	s7 =	sadd.s32 s6, s4  }
0x8: {  	s9 =	sadd.s32 $0x5000, s6;
	s10 =	sadd.s32 s6, s8;
	s12 =	sadd.s32 s6, s11  }
0x9: {  	s7 =	sshll.u32 s7, $0x4;
	s24 =	sshll.u32 s10, $0x4;
	s10 =	sadd.s32 $0x100, s4  }
0xa: {  	s26 =	sshll.u32 s12, $0x4;
	s29 =	sadd.s32 s4, s23;
	s12 =	sadd.s32 s8, s23  }
0xb: {  	s18 =	sadd.s32 s11, s23;
	s5 =	sadd.s32 s13, s23;
	s4 =	sadd.s32 s4, s9  }
0xc: {  	s20 =	sadd.s32 s8, s9;
	s7 =	sadd.s32 s2, s7;
	s25 =	sadd.s32 s6, s10  }
0xd: {  	s6 =	sadd.s32 s6, s13;
	s15 =	sshll.u32 s12, $0x4;
	s16 =	sadd.s32 s10, s23  }
0xe: {  	s19 =	sshll.u32 s18, $0x4;
	s5 =	sshll.u32 s5, $0x4;
	s18 =	rddreg [dreg:$0x3]  }
0xf: {  	s4 =	sshll.u32 s4, $0x4;
	[dreg:$0x5] =	wrdreg s7;
	s7 =	sadd.s32 s2, s24  }
0x10: {  	s21 =	sshll.u32 s20, $0x4;
	s5 =	sadd.s32 s2, s5;
	[dreg:$0x6] =	wrdreg s7  }
0x11: {  	s6 =	sshll.u32 s6, $0x4;
	s4 =	sadd.s32 s2, s4;
	[dreg:$0xe] =	wrdreg s5  }
0x12: {  	s22 =	sadd.s32 s10, s9;
	s6 =	sadd.s32 s2, s6;
	[dreg:$0xf] =	wrdreg s4  }
0x13: {  	s7 =	sshll.u32 s25, $0x4;
	s4 =	sadd.s32 s2, s21;
	[dreg:$0x9] =	wrdreg s6  }
0x14: {  	s23 =	sshll.u32 s22, $0x4;
	s7 =	sadd.s32 s2, s7;
	[dreg:$0x10] =	wrdreg s4  }
0x15: {  	s24 =	sadd.s32 s11, s9;
	s4 =	sadd.s32 s2, s23;
	[dreg:$0x7] =	wrdreg s7  }
0x16: {  	s25 =	sshll.u32 s24, $0x4;
	s7 =	sadd.s32 s2, s26;
	[dreg:$0x11] =	wrdreg s4  }
0x17: {  	s4 =	sadd.s32 s2, s25;
	[dreg:$0x8] =	wrdreg s7;
	s7 =	sshll.u32 s29, $0x4  }
0x18: {  	s17 =	sshll.u32 s16, $0x4;
	[dreg:$0x12] =	wrdreg s4;
	s6 =	sadd.s32 s2, s7  }
0x19: {  	s26 =	sadd.s32 s13, s9;
	[dreg:$0xa] =	wrdreg s6;
	s6 =	sadd.s32 s2, s15  }
0x1a: {  	s29 =	smul.u32 $0x50000, s14;
	[dreg:$0xb] =	wrdreg s6;
	s6 =	sadd.s32 s2, s17  }
0x1b: {  	s5 =	sshll.u32 s26, $0x4;
	[dreg:$0xc] =	wrdreg s6;
	s6 =	sadd.s32 s2, s19  }
0x1c: {  	s7 =	sshrl.u32 s29, $0x2;
	s2 =	sadd.s32 s2, s5;
	[dreg:$0xd] =	wrdreg s6  }
0x1d: {  	s9 =	smax.u32 s3, $0x1;
	s24 =	sadd.s32 s7, s18;
	[dreg:$0x13] =	wrdreg s2  }
0x1e: {  	s15 =	sadd.s32 $0x1000, s24;
	_ =	strace $0x80000047;
	[dreg:$0x15] =	wrdreg s9  }
0x1f: {  	s16 =	sadd.s32 $0x2000, s24;
	[dreg:$0x1a] =	wrdreg s15  }
0x20: {  	s17 =	sadd.s32 $0x3000, s24;
	[dreg:$0x1b] =	wrdreg s16  }
0x21: {  	s19 =	sadd.s32 $0x4000, s24;
	[dreg:$0x1c] =	wrdreg s17  }
0x22: {  	s20 =	sadd.s32 $0x5000, s24;
	[dreg:$0x1d] =	wrdreg s19  }
0x23: {  	s21 =	sadd.s32 $0x6000, s24;
	[dreg:$0x1e] =	wrdreg s20  }
0x24: {  	s23 =	sadd.s32 $0x7000, s24;
	[dreg:$0x1f] =	wrdreg s21  }
0x25: {  	s0 =	sshll.u32 s0, $0x4;
	s25 =	sadd.s32 $0x8000, s24;
	[smem:$0x7E5] =	sst s23  }
0x26: {  	s0 =	sor.u32 s14, s0;
	s26 =	sadd.s32 $0x9000, s24;
	[smem:$0x7E6] =	sst s25  }
0x27: {  	s8 =	sshll.u32 s8, $0x7;
	s29 =	sadd.s32 $0xA000, s24;
	[smem:$0x7E7] =	sst s26  }
0x28: {  	s10 =	sshll.u32 s10, $0x7;
	s6 =	sadd.s32 $0xB000, s24;
	[smem:$0x7E8] =	sst s29  }
0x29: {  	s22 =	smul.u32 $0x2800, s0;
	s7 =	sadd.s32 $0xC000, s24;
	[smem:$0x7E9] =	sst s6  }
0x2a: {  	s4 =	sadd.s32 s8, s18;
	s8 =	sadd.s32 $0xD000, s24;
	[smem:$0x7EA] =	sst s7  }
0x2b: {  	s0 =	sadd.s32 s10, s18;
	s10 =	sadd.s32 $0xF000, s24;
	[smem:$0x7EB] =	sst s8  }
0x2c: {  	s12 =	sshll.u32 s11, $0x7;
	s11 =	sadd.s32 $0x10000, s24;
	[smem:$0x7ED] =	sst s10  }
0x2d: {  	s2 =	sadd.s32 s12, s18;
	s12 =	sadd.s32 $0x11000, s24;
	[smem:$0x7EE] =	sst s11  }
0x2e: {  	s14 =	sshll.u32 s13, $0x7;
	s13 =	sadd.s32 $0x12000, s24;
	[smem:$0x7EF] =	sst s12  }
0x2f: {  	s3 =	sadd.s32 s14, s18;
	s14 =	sadd.s32 $0x13000, s24;
	[smem:$0x7F0] =	sst s13  }
0x30: {  	[smem:$0x7F1] =	sst s14  }
0x31: {  	[dreg:$0x16] =	wrdreg s4  }
0x32: {  	[dreg:$0x17] =	wrdreg s0  }
0x33: {  	[dreg:$0x18] =	wrdreg s2  }
0x34: {  	[dreg:$0x19] =	wrdreg s3  }
0x35: {  	s9 =	sadd.s32 $0xE000, s24;
	[dreg:$0x14] =	wrdreg s24  }
0x36: {  	s15 =	sadd.s32 $0x1000, s4;
	[smem:$0x7EC] =	sst s9  }
0x37: {  	s28 =	simm.s32 $0x500;
	s16 =	sadd.s32 $0x2000, s4;
	[smem:$0x7F2] =	sst s15  }
0x38: {  	s5 =	simm.s32 $0xE80;
	s4 =	sadd.s32 $0x3000, s4;
	[smem:$0x7F3] =	sst s16  }
0x39: {  	s17 =	sadd.s32 $0x1000, s0;
	s19 =	sadd.s32 $0x2000, s0;
	[smem:$0x7F4] =	sst s4  }
0x3a: {  	s0 =	sadd.s32 $0x3000, s0;
	s20 =	sadd.s32 $0x1000, s2;
	[smem:$0x7F5] =	sst s17  }
0x3b: {  	s21 =	sadd.s32 $0x2000, s2;
	s23 =	sadd.s32 $0x3000, s2;
	[smem:$0x7F6] =	sst s19  }
0x3c: {  	s25 =	sadd.s32 $0x1000, s3;
	s26 =	sadd.s32 $0x2000, s3;
	[smem:$0x7F7] =	sst s0  }
0x3d: {  	s29 =	sadd.s32 $0x3000, s3;
	s13 =	simm.s32 $0x3;
	[smem:$0x7F8] =	sst s20  }
0x3e: {  	s14 =	simm.s32 $0x80;
	s12 =	simm.s32 $0x580;
	[smem:$0x7F9] =	sst s21  }
0x3f: {  	s2 =	simm.s32 $0xD00;
	s3 =	simm.s32 $0x600;
	[smem:$0x7FA] =	sst s23  }
0x40: {  	s6 =	simm.s32 $0x780;
	s7 =	simm.s32 $0xF00;
	[smem:$0x7FB] =	sst s25  }
0x41: {  	s8 =	simm.s32 $0xF80;
	s10 =	simm.s32 $0x0;
	[smem:$0x7FC] =	sst s26  }
0x42: {  	[smem:$0x7FD] =	sst s29;
	s15 =	simm.s32 $0x1000;
	s16 =	simm.s32 $0x5000  }
0x43: {  	s19 =	simm.s32 $0x1;
	s17 =	simm.s32 $0x2;
	s25 =	simm.s32 $0x480  }
0x44: {  	s26 =	simm.s32 $0xC00;
	s21 =	simm.s32 $0xC80;
	s20 =	simm.s32 $0xD80  }
0x45: {  	v0 =	vimm.f32 $0.0e+00;
	s23 =	simm.s32 $0x680;
	s0 =	simm.s32 $0xE00;
	s4 =	simm.s32 $0x700  }
.LBB2_1:
0x46: {  	[smem:$0x7E4] =	sst s10;
	s9 =	sand.u32 $0x3E00, s31  }
0x47: {  	s24 =	simm.s32 $0x0;
	s31 =	sand.u32 $0x70, s31;
	s11 =	sshrl.u32 s9, $0x2  }
0x48: {  	s10 =	simm.s32 $0x0;
	s9 =	simm.s32 $0x40;
	s11 =	sor.u32 s31, s11  }
.LBB2_2:
0x49: {  	p0 =	sne.s32 s9, $0x3FC0  }
0x4a: {  	[tilespmem:s11+$0x9000] =	vst v0;
	s10 =	sadd.s32 $0x10, s10;
	s11 =	smov.u32 s9;
	s9 =	sadd.s32 $0x40, s9  }
.Ltmp0:
0x4b: {  	(pc) =	sbr.rel @p0 .LBB2_2-.Ltmp0, $4  }
0x4c: {  	_ = 	snop  }
0x4d: {  	s11 =	sand.u32 $0x3E00, s11  }
0x4e: {  	s29 =	sand.u32 $0x70, s10;
	s11 =	sshrl.u32 s11, $0x2  }
0x4f: {  	s11 =	sor.u32 s29, s11  }
0x50: {  	[tilespmem:s11+$0x9000] =	vst v0;
	s9 =	rddreg [dreg:$0x14];
	s10 =	simm.s32 $0x9000  }
0x51: {  	[spmem:s9] =	stream.linear.scatter [tilespmem:s10], [sflag:$0x3], $0x1000, $0x38;
	[tilespmem:$0x1E000] =	vst v63  }
0x52: {  	_ =	swait.ge [sflag:s13], $0x1000  }
0x53: {  	[sflag:s13] =	ssyncset.done $0x0  }
0x54: {  	s31 =	rddreg [dreg:$0x1a];
	[sflag:s13] =	ssyncadd.s32 $0xFFFFF000  }
0x55: {  	[spmem:s31] =	stream.linear.scatter [tilespmem:s10], [sflag:$0x3], $0x1000, $0x38;
	[tilespmem:$0x1E000] =	vst v63  }
0x56: {  	_ =	swait.ge [sflag:s13], $0x1000  }
0x57: {  	[sflag:s13] =	ssyncset.done $0x0  }
0x58: {  	s11 =	rddreg [dreg:$0x1b];
	[sflag:s13] =	ssyncadd.s32 $0xFFFFF000  }
0x59: {  	[spmem:s11] =	stream.linear.scatter [tilespmem:s10], [sflag:$0x3], $0x1000, $0x38;
	[tilespmem:$0x1E000] =	vst v63  }
0x5a: {  	_ =	swait.ge [sflag:s13], $0x1000  }
0x5b: {  	[sflag:s13] =	ssyncset.done $0x0  }
0x5c: {  	s29 =	rddreg [dreg:$0x1c];
	[sflag:s13] =	ssyncadd.s32 $0xFFFFF000  }
0x5d: {  	[spmem:s29] =	stream.linear.scatter [tilespmem:s10], [sflag:$0x3], $0x1000, $0x38;
	[tilespmem:$0x1E000] =	vst v63  }
0x5e: {  	_ =	swait.ge [sflag:s13], $0x1000  }
0x5f: {  	[sflag:s13] =	ssyncset.done $0x0  }
0x60: {  	s31 =	rddreg [dreg:$0x1d];
	[sflag:s13] =	ssyncadd.s32 $0xFFFFF000  }
0x61: {  	[spmem:s31] =	stream.linear.scatter [tilespmem:s10], [sflag:$0x3], $0x1000, $0x38;
	[tilespmem:$0x1E000] =	vst v63  }
0x62: {  	_ =	swait.ge [sflag:s13], $0x1000  }
0x63: {  	[sflag:s13] =	ssyncset.done $0x0  }
0x64: {  	s11 =	rddreg [dreg:$0x1e];
	[sflag:s13] =	ssyncadd.s32 $0xFFFFF000  }
0x65: {  	[spmem:s11] =	stream.linear.scatter [tilespmem:s10], [sflag:$0x3], $0x1000, $0x38;
	[tilespmem:$0x1E000] =	vst v63  }
0x66: {  	_ =	swait.ge [sflag:s13], $0x1000  }
0x67: {  	[sflag:s13] =	ssyncset.done $0x0  }
0x68: {  	s29 =	rddreg [dreg:$0x1f];
	[sflag:s13] =	ssyncadd.s32 $0xFFFFF000  }
0x69: {  	[spmem:s29] =	stream.linear.scatter [tilespmem:s10], [sflag:$0x3], $0x1000, $0x38;
	[tilespmem:$0x1E000] =	vst v63  }
0x6a: {  	_ =	swait.ge [sflag:s13], $0x1000  }
0x6b: {  	s31 =	sld [smem:$0x7E5]  }
0x6c: {  	[sflag:s13] =	ssyncset.done $0x0  }
0x6d: {  	[sflag:s13] =	ssyncadd.s32 $0xFFFFF000  }
0x6e: {  	[spmem:s31] =	stream.linear.scatter [tilespmem:s10], [sflag:$0x3], $0x1000, $0x38;
	[tilespmem:$0x1E000] =	vst v63  }
0x6f: {  	_ =	swait.ge [sflag:s13], $0x1000  }
0x70: {  	s11 =	sld [smem:$0x7E6]  }
0x71: {  	[sflag:s13] =	ssyncset.done $0x0  }
0x72: {  	[sflag:s13] =	ssyncadd.s32 $0xFFFFF000  }
0x73: {  	[spmem:s11] =	stream.linear.scatter [tilespmem:s10], [sflag:$0x3], $0x1000, $0x38;
	[tilespmem:$0x1E000] =	vst v63  }
0x74: {  	_ =	swait.ge [sflag:s13], $0x1000  }
0x75: {  	s29 =	sld [smem:$0x7E7]  }
0x76: {  	[sflag:s13] =	ssyncset.done $0x0  }
0x77: {  	[sflag:s13] =	ssyncadd.s32 $0xFFFFF000  }
0x78: {  	[spmem:s29] =	stream.linear.scatter [tilespmem:s10], [sflag:$0x3], $0x1000, $0x38;
	[tilespmem:$0x1E000] =	vst v63  }
0x79: {  	_ =	swait.ge [sflag:s13], $0x1000  }
0x7a: {  	s31 =	sld [smem:$0x7E8]  }
0x7b: {  	[sflag:s13] =	ssyncset.done $0x0  }
0x7c: {  	[sflag:s13] =	ssyncadd.s32 $0xFFFFF000  }
0x7d: {  	[spmem:s31] =	stream.linear.scatter [tilespmem:s10], [sflag:$0x3], $0x1000, $0x38;
	[tilespmem:$0x1E000] =	vst v63  }
0x7e: {  	_ =	swait.ge [sflag:s13], $0x1000  }
0x7f: {  	s11 =	sld [smem:$0x7E9]  }
0x80: {  	[sflag:s13] =	ssyncset.done $0x0  }
0x81: {  	[sflag:s13] =	ssyncadd.s32 $0xFFFFF000  }
0x82: {  	[spmem:s11] =	stream.linear.scatter [tilespmem:s10], [sflag:$0x3], $0x1000, $0x38;
	[tilespmem:$0x1E000] =	vst v63  }
0x83: {  	_ =	swait.ge [sflag:s13], $0x1000  }
0x84: {  	s29 =	sld [smem:$0x7EA]  }
0x85: {  	[sflag:s13] =	ssyncset.done $0x0  }
0x86: {  	[sflag:s13] =	ssyncadd.s32 $0xFFFFF000  }
0x87: {  	[spmem:s29] =	stream.linear.scatter [tilespmem:s10], [sflag:$0x3], $0x1000, $0x38;
	[tilespmem:$0x1E000] =	vst v63  }
0x88: {  	_ =	swait.ge [sflag:s13], $0x1000  }
0x89: {  	s31 =	sld [smem:$0x7EB]  }
0x8a: {  	[sflag:s13] =	ssyncset.done $0x0  }
0x8b: {  	[sflag:s13] =	ssyncadd.s32 $0xFFFFF000  }
0x8c: {  	[spmem:s31] =	stream.linear.scatter [tilespmem:s10], [sflag:$0x3], $0x1000, $0x38;
	[tilespmem:$0x1E000] =	vst v63  }
0x8d: {  	_ =	swait.ge [sflag:s13], $0x1000  }
0x8e: {  	s11 =	sld [smem:$0x7EC]  }
0x8f: {  	[sflag:s13] =	ssyncset.done $0x0  }
0x90: {  	[sflag:s13] =	ssyncadd.s32 $0xFFFFF000  }
0x91: {  	[spmem:s11] =	stream.linear.scatter [tilespmem:s10], [sflag:$0x3], $0x1000, $0x38;
	[tilespmem:$0x1E000] =	vst v63  }
0x92: {  	_ =	swait.ge [sflag:s13], $0x1000  }
0x93: {  	s29 =	sld [smem:$0x7ED]  }
0x94: {  	[sflag:s13] =	ssyncset.done $0x0  }
0x95: {  	[sflag:s13] =	ssyncadd.s32 $0xFFFFF000  }
0x96: {  	[spmem:s29] =	stream.linear.scatter [tilespmem:s10], [sflag:$0x3], $0x1000, $0x38;
	[tilespmem:$0x1E000] =	vst v63  }
0x97: {  	_ =	swait.ge [sflag:s13], $0x1000  }
0x98: {  	s31 =	sld [smem:$0x7EE]  }
0x99: {  	[sflag:s13] =	ssyncset.done $0x0  }
0x9a: {  	[sflag:s13] =	ssyncadd.s32 $0xFFFFF000  }
0x9b: {  	[spmem:s31] =	stream.linear.scatter [tilespmem:s10], [sflag:$0x3], $0x1000, $0x38;
	[tilespmem:$0x1E000] =	vst v63  }
0x9c: {  	_ =	swait.ge [sflag:s13], $0x1000  }
0x9d: {  	s11 =	sld [smem:$0x7EF]  }
0x9e: {  	[sflag:s13] =	ssyncset.done $0x0  }
0x9f: {  	[sflag:s13] =	ssyncadd.s32 $0xFFFFF000  }
0xa0: {  	[spmem:s11] =	stream.linear.scatter [tilespmem:s10], [sflag:$0x3], $0x1000, $0x38;
	[tilespmem:$0x1E000] =	vst v63  }
0xa1: {  	_ =	swait.ge [sflag:s13], $0x1000  }
0xa2: {  	s29 =	sld [smem:$0x7F0]  }
0xa3: {  	[sflag:s13] =	ssyncset.done $0x0  }
0xa4: {  	[sflag:s13] =	ssyncadd.s32 $0xFFFFF000  }
0xa5: {  	[spmem:s29] =	stream.linear.scatter [tilespmem:s10], [sflag:$0x3], $0x1000, $0x38;
	[tilespmem:$0x1E000] =	vst v63  }
0xa6: {  	_ =	swait.ge [sflag:s13], $0x1000  }
0xa7: {  	s31 =	sld [smem:$0x7F1]  }
0xa8: {  	[sflag:s13] =	ssyncset.done $0x0  }
0xa9: {  	[sflag:s13] =	ssyncadd.s32 $0xFFFFF000  }
0xaa: {  	[spmem:s31] =	stream.linear.scatter [tilespmem:s10], [sflag:$0x3], $0x1000, $0x38;
	[tilespmem:$0x1E000] =	vst v63  }
0xab: {  	_ =	swait.ge [sflag:s13], $0x1000  }
0xac: {  	[sflag:s13] =	ssyncset.done $0x0  }
0xad: {  	[sflag:s13] =	ssyncadd.s32 $0xFFFFF000  }
0xae: {  	s9 =	simm.s32 $0x0;
	s10 =	simm.s32 $0x0;
	[bflag:$0x0] =	sbarrier.arrive $0xFFFF  }
.LBB2_4:
0xaf: {  	s11 =	sshll.u32 s10, $0xB  }
0xb0: {  	s11 =	sadd.s32 s22, s11  }
0xb1: {  	s11 =	sshrl.u32 s11, $0x3  }
0xb2: {  	s11 =	sadd.s32 s30, s11  }
0xb3: {  	[tilespmem:s9], [sflag:$0x3] =	stream.linear.gather [hbm4b:s11+s9], $0x800, $0x38;
	[tilespmem:$0x1E000] =	vst v63  }
0xb4: {  	_ =	swait.ge [sflag:s13], $0x800  }
0xb5: {  	[sflag:s13] =	ssyncset.done $0x0  }
0xb6: {  	s11 =	simm.s32 $0x0;
	[sflag:s13] =	ssyncadd.s32 $0xFFFFF800  }
0xb7: {  	v1 =	vld [tilespmem:s11+$0x0];
	_ =	sdelay $0x4  }
0xb8: {  	v2 =	vshrl.u32 v1, $0x10  }
0xb9: {  	s31 =	smov.u32 s30;
	s29 =	simm.s32 $0x80;
	s30 =	simm.s32 $0x10;
	v1 =	vand.u32 $0xFFFF, v1;
	[tilespmem:s11+$0x0] =	vst v2  }
.LBB2_5:
0xba: {  	p0 =	sne.s32 s29, $0x1FC0;
	v2 =	vld [tilespmem:s30+$0x0];
	[tilespmem:s11+$0x800] =	vst v1;
	s11 =	smov.u32 s30;
	_ =	sdelay $0x1  }
.Ltmp1:
0xbb: {  	(pc) =	sbr.rel @p0 .LBB2_5-.Ltmp1, $3  }
0xbc: {  	_ =	sdelay $0x1  }
0xbd: {  	v1 =	vand.u32 $0xFFFF, v2;
	v2 =	vshrl.u32 v2, $0x10  }
0xbe: {  	s30 =	sshra.s32 s29, $0x2;
	s29 =	sadd.s32 $0x40, s29;
	[tilespmem:s11+$0x0] =	vst v2  }
0xbf: {  	v2 =	vld [tilespmem:s30+$0x0];
	_ =	sdelay $0x4  }
0xc0: {  	[tilespmem:s11+$0x800] =	vst v1;
	v1 =	vshrl.u32 v2, $0x10  }
0xc1: {  	v2 =	vand.u32 $0xFFFF, v2;
	[tilespmem:s30+$0x0] =	vst v1  }
0xc2: {  	[tilespmem:s30+$0x800] =	vst v2  }
0xc3: {  	[tilespmem:s15], [sflag:$0x1] =	stream.indirect.gather [hbm4b:s1+s14], $0x80, s24, s14, $0xb8;
	[tilespmem:$0x1E000] =	vst v63  }
0xc4: {  	_ = 	snop  }
0xc5: {  	[tilespmem:s16], [sflag:$0x2] =	stream.indirect.gather [hbm4b:s1+s14], $0x80, s14, s14, $0xb8;
	[tilespmem:$0x1E000] =	vst v63  }
0xc6: {  	_ =	swait.ge [sflag:s19], $0x4000  }
0xc7: {  	[sflag:s19] =	ssyncset.done $0x0  }
0xc8: {  	s29 =	simm.s32 $0x800;
	[sflag:s19] =	ssyncadd.s32 $0xFFFFC000  }
0xc9: {  	[spmem:s18] =	stream.indirect.scatter.add.f32 [tilespmem:s15], [sflag:$0x3], $0x80, s29, s14, $0xb8;
	[tilespmem:$0x1E000] =	vst v63  }
0xca: {  	_ =	swait.ge [sflag:s13], $0x4000  }
0xcb: {  	[sflag:s13] =	ssyncset.done $0x0  }
0xcc: {  	s29 =	simm.s32 $0x100;
	[sflag:s13] =	ssyncadd.s32 $0xFFFFC000  }
0xcd: {  	[tilespmem:s15], [sflag:$0x1] =	stream.indirect.gather [hbm4b:s1+s14], $0x80, s29, s14, $0xb8;
	[tilespmem:$0x1E000] =	vst v63  }
0xce: {  	_ =	swait.ge [sflag:s17], $0x4000  }
0xcf: {  	[sflag:s17] =	ssyncset.done $0x0  }
0xd0: {  	s29 =	simm.s32 $0x880;
	[sflag:s17] =	ssyncadd.s32 $0xFFFFC000  }
0xd1: {  	[spmem:s18] =	stream.indirect.scatter.add.f32 [tilespmem:s16], [sflag:$0x3], $0x80, s29, s14, $0xb8;
	[tilespmem:$0x1E000] =	vst v63  }
0xd2: {  	_ =	swait.ge [sflag:s13], $0x4000  }
0xd3: {  	[sflag:s13] =	ssyncset.done $0x0  }
0xd4: {  	s29 =	simm.s32 $0x180;
	[sflag:s13] =	ssyncadd.s32 $0xFFFFC000  }
0xd5: {  	[tilespmem:s16], [sflag:$0x2] =	stream.indirect.gather [hbm4b:s1+s14], $0x80, s29, s14, $0xb8;
	[tilespmem:$0x1E000] =	vst v63  }
0xd6: {  	_ =	swait.ge [sflag:s19], $0x4000  }
0xd7: {  	[sflag:s19] =	ssyncset.done $0x0  }
0xd8: {  	s29 =	simm.s32 $0x900;
	[sflag:s19] =	ssyncadd.s32 $0xFFFFC000  }
0xd9: {  	[spmem:s18] =	stream.indirect.scatter.add.f32 [tilespmem:s15], [sflag:$0x3], $0x80, s29, s14, $0xb8;
	[tilespmem:$0x1E000] =	vst v63  }
0xda: {  	_ =	swait.ge [sflag:s13], $0x4000  }
0xdb: {  	[sflag:s13] =	ssyncset.done $0x0  }
0xdc: {  	s29 =	simm.s32 $0x200;
	[sflag:s13] =	ssyncadd.s32 $0xFFFFC000  }
0xdd: {  	[tilespmem:s15], [sflag:$0x1] =	stream.indirect.gather [hbm4b:s1+s14], $0x80, s29, s14, $0xb8;
	[tilespmem:$0x1E000] =	vst v63  }
0xde: {  	_ =	swait.ge [sflag:s17], $0x4000  }
0xdf: {  	[sflag:s17] =	ssyncset.done $0x0  }
0xe0: {  	s29 =	simm.s32 $0x980;
	[sflag:s17] =	ssyncadd.s32 $0xFFFFC000  }
0xe1: {  	[spmem:s18] =	stream.indirect.scatter.add.f32 [tilespmem:s16], [sflag:$0x3], $0x80, s29, s14, $0xb8;
	[tilespmem:$0x1E000] =	vst v63  }
0xe2: {  	_ =	swait.ge [sflag:s13], $0x4000  }
0xe3: {  	[sflag:s13] =	ssyncset.done $0x0  }
0xe4: {  	s29 =	simm.s32 $0x280;
	[sflag:s13] =	ssyncadd.s32 $0xFFFFC000  }
0xe5: {  	[tilespmem:s16], [sflag:$0x2] =	stream.indirect.gather [hbm4b:s1+s14], $0x80, s29, s14, $0xb8;
	[tilespmem:$0x1E000] =	vst v63  }
0xe6: {  	_ =	swait.ge [sflag:s19], $0x4000  }
0xe7: {  	[sflag:s19] =	ssyncset.done $0x0  }
0xe8: {  	s29 =	simm.s32 $0xA00;
	[sflag:s19] =	ssyncadd.s32 $0xFFFFC000  }
0xe9: {  	[spmem:s18] =	stream.indirect.scatter.add.f32 [tilespmem:s15], [sflag:$0x3], $0x80, s29, s14, $0xb8;
	[tilespmem:$0x1E000] =	vst v63  }
0xea: {  	_ =	swait.ge [sflag:s13], $0x4000  }
0xeb: {  	[sflag:s13] =	ssyncset.done $0x0  }
0xec: {  	s29 =	simm.s32 $0x300;
	[sflag:s13] =	ssyncadd.s32 $0xFFFFC000  }
0xed: {  	[tilespmem:s15], [sflag:$0x1] =	stream.indirect.gather [hbm4b:s1+s14], $0x80, s29, s14, $0xb8;
	[tilespmem:$0x1E000] =	vst v63  }
0xee: {  	_ =	swait.ge [sflag:s17], $0x4000  }
0xef: {  	[sflag:s17] =	ssyncset.done $0x0  }
0xf0: {  	s29 =	simm.s32 $0xA80;
	[sflag:s17] =	ssyncadd.s32 $0xFFFFC000  }
0xf1: {  	[spmem:s18] =	stream.indirect.scatter.add.f32 [tilespmem:s16], [sflag:$0x3], $0x80, s29, s14, $0xb8;
	[tilespmem:$0x1E000] =	vst v63  }
0xf2: {  	_ =	swait.ge [sflag:s13], $0x4000  }
0xf3: {  	[sflag:s13] =	ssyncset.done $0x0  }
0xf4: {  	s29 =	simm.s32 $0x380;
	[sflag:s13] =	ssyncadd.s32 $0xFFFFC000  }
0xf5: {  	[tilespmem:s16], [sflag:$0x2] =	stream.indirect.gather [hbm4b:s1+s14], $0x80, s29, s14, $0xb8;
	[tilespmem:$0x1E000] =	vst v63  }
0xf6: {  	_ =	swait.ge [sflag:s19], $0x4000  }
0xf7: {  	[sflag:s19] =	ssyncset.done $0x0  }
0xf8: {  	s29 =	simm.s32 $0xB00;
	[sflag:s19] =	ssyncadd.s32 $0xFFFFC000  }
0xf9: {  	[spmem:s18] =	stream.indirect.scatter.add.f32 [tilespmem:s15], [sflag:$0x3], $0x80, s29, s14, $0xb8;
	[tilespmem:$0x1E000] =	vst v63  }
0xfa: {  	_ =	swait.ge [sflag:s13], $0x4000  }
0xfb: {  	[sflag:s13] =	ssyncset.done $0x0  }
0xfc: {  	s29 =	simm.s32 $0x400;
	[sflag:s13] =	ssyncadd.s32 $0xFFFFC000  }
0xfd: {  	[tilespmem:s15], [sflag:$0x1] =	stream.indirect.gather [hbm4b:s1+s14], $0x80, s29, s14, $0xb8;
	[tilespmem:$0x1E000] =	vst v63  }
0xfe: {  	_ =	swait.ge [sflag:s17], $0x4000  }
0xff: {  	[sflag:s17] =	ssyncset.done $0x0  }
0x100: {  	s29 =	simm.s32 $0xB80;
	[sflag:s17] =	ssyncadd.s32 $0xFFFFC000  }
0x101: {  	[spmem:s18] =	stream.indirect.scatter.add.f32 [tilespmem:s16], [sflag:$0x3], $0x80, s29, s14, $0xb8;
	[tilespmem:$0x1E000] =	vst v63  }
0x102: {  	_ =	swait.ge [sflag:s13], $0x4000  }
0x103: {  	[sflag:s13] =	ssyncset.done $0x0  }
0x104: {  	[sflag:s13] =	ssyncadd.s32 $0xFFFFC000  }
0x105: {  	[tilespmem:s16], [sflag:$0x2] =	stream.indirect.gather [hbm4b:s1+s14], $0x80, s25, s14, $0xb8;
	[tilespmem:$0x1E000] =	vst v63  }
0x106: {  	_ =	swait.ge [sflag:s19], $0x4000  }
0x107: {  	[sflag:s19] =	ssyncset.done $0x0  }
0x108: {  	[sflag:s19] =	ssyncadd.s32 $0xFFFFC000  }
0x109: {  	[spmem:s18] =	stream.indirect.scatter.add.f32 [tilespmem:s15], [sflag:$0x3], $0x80, s26, s14, $0xb8;
	[tilespmem:$0x1E000] =	vst v63  }
0x10a: {  	_ =	swait.ge [sflag:s13], $0x4000  }
0x10b: {  	[sflag:s13] =	ssyncset.done $0x0  }
0x10c: {  	[sflag:s13] =	ssyncadd.s32 $0xFFFFC000  }
0x10d: {  	[tilespmem:s15], [sflag:$0x1] =	stream.indirect.gather [hbm4b:s1+s14], $0x80, s28, s14, $0xb8;
	[tilespmem:$0x1E000] =	vst v63  }
0x10e: {  	_ =	swait.ge [sflag:s17], $0x4000  }
0x10f: {  	[sflag:s17] =	ssyncset.done $0x0  }
0x110: {  	[sflag:s17] =	ssyncadd.s32 $0xFFFFC000  }
0x111: {  	[spmem:s18] =	stream.indirect.scatter.add.f32 [tilespmem:s16], [sflag:$0x3], $0x80, s21, s14, $0xb8;
	[tilespmem:$0x1E000] =	vst v63  }
0x112: {  	_ =	swait.ge [sflag:s13], $0x4000  }
0x113: {  	[sflag:s13] =	ssyncset.done $0x0  }
0x114: {  	[sflag:s13] =	ssyncadd.s32 $0xFFFFC000  }
0x115: {  	[tilespmem:s16], [sflag:$0x2] =	stream.indirect.gather [hbm4b:s1+s14], $0x80, s12, s14, $0xb8;
	[tilespmem:$0x1E000] =	vst v63  }
0x116: {  	_ =	swait.ge [sflag:s19], $0x4000  }
0x117: {  	[sflag:s19] =	ssyncset.done $0x0  }
0x118: {  	[sflag:s19] =	ssyncadd.s32 $0xFFFFC000  }
0x119: {  	[spmem:s18] =	stream.indirect.scatter.add.f32 [tilespmem:s15], [sflag:$0x3], $0x80, s2, s14, $0xb8;
	[tilespmem:$0x1E000] =	vst v63  }
0x11a: {  	_ =	swait.ge [sflag:s13], $0x4000  }
0x11b: {  	[sflag:s13] =	ssyncset.done $0x0  }
0x11c: {  	[sflag:s13] =	ssyncadd.s32 $0xFFFFC000  }
0x11d: {  	[tilespmem:s15], [sflag:$0x1] =	stream.indirect.gather [hbm4b:s1+s14], $0x80, s3, s14, $0xb8;
	[tilespmem:$0x1E000] =	vst v63  }
0x11e: {  	_ =	swait.ge [sflag:s17], $0x4000  }
0x11f: {  	[sflag:s17] =	ssyncset.done $0x0  }
0x120: {  	[sflag:s17] =	ssyncadd.s32 $0xFFFFC000  }
0x121: {  	[spmem:s18] =	stream.indirect.scatter.add.f32 [tilespmem:s16], [sflag:$0x3], $0x80, s20, s14, $0xb8;
	[tilespmem:$0x1E000] =	vst v63  }
0x122: {  	_ =	swait.ge [sflag:s13], $0x4000  }
0x123: {  	[sflag:s13] =	ssyncset.done $0x0  }
0x124: {  	[sflag:s13] =	ssyncadd.s32 $0xFFFFC000  }
0x125: {  	[tilespmem:s16], [sflag:$0x2] =	stream.indirect.gather [hbm4b:s1+s14], $0x80, s23, s14, $0xb8;
	[tilespmem:$0x1E000] =	vst v63  }
0x126: {  	_ =	swait.ge [sflag:s19], $0x4000  }
0x127: {  	[sflag:s19] =	ssyncset.done $0x0  }
0x128: {  	[sflag:s19] =	ssyncadd.s32 $0xFFFFC000  }
0x129: {  	[spmem:s18] =	stream.indirect.scatter.add.f32 [tilespmem:s15], [sflag:$0x3], $0x80, s0, s14, $0xb8;
	[tilespmem:$0x1E000] =	vst v63  }
0x12a: {  	_ =	swait.ge [sflag:s13], $0x4000  }
0x12b: {  	[sflag:s13] =	ssyncset.done $0x0  }
0x12c: {  	[sflag:s13] =	ssyncadd.s32 $0xFFFFC000  }
0x12d: {  	[tilespmem:s15], [sflag:$0x1] =	stream.indirect.gather [hbm4b:s1+s14], $0x80, s4, s14, $0xb8;
	[tilespmem:$0x1E000] =	vst v63  }
0x12e: {  	_ =	swait.ge [sflag:s17], $0x4000  }
0x12f: {  	[sflag:s17] =	ssyncset.done $0x0  }
0x130: {  	[sflag:s17] =	ssyncadd.s32 $0xFFFFC000  }
0x131: {  	[spmem:s18] =	stream.indirect.scatter.add.f32 [tilespmem:s16], [sflag:$0x3], $0x80, s5, s14, $0xb8;
	[tilespmem:$0x1E000] =	vst v63  }
0x132: {  	_ =	swait.ge [sflag:s13], $0x4000  }
0x133: {  	[sflag:s13] =	ssyncset.done $0x0  }
0x134: {  	[sflag:s13] =	ssyncadd.s32 $0xFFFFC000  }
0x135: {  	[tilespmem:s16], [sflag:$0x2] =	stream.indirect.gather [hbm4b:s1+s14], $0x80, s6, s14, $0xb8;
	[tilespmem:$0x1E000] =	vst v63  }
0x136: {  	_ =	swait.ge [sflag:s19], $0x4000  }
0x137: {  	[sflag:s19] =	ssyncset.done $0x0  }
0x138: {  	[sflag:s19] =	ssyncadd.s32 $0xFFFFC000  }
0x139: {  	[spmem:s18] =	stream.indirect.scatter.add.f32 [tilespmem:s15], [sflag:$0x3], $0x80, s7, s14, $0xb8;
	[tilespmem:$0x1E000] =	vst v63  }
0x13a: {  	_ =	swait.ge [sflag:s13], $0x4000  }
0x13b: {  	[sflag:s13] =	ssyncset.done $0x0  }
0x13c: {  	[sflag:s13] =	ssyncadd.s32 $0xFFFFC000  }
0x13d: {  	s10 =	sadd.s32 $0x1, s10;
	_ =	swait.ge [sflag:s17], $0x4000  }
0x13e: {  	p0 =	sne.s32 s10, $0x5;
	[sflag:s17] =	ssyncset.done $0x0  }
.Ltmp2:
0x13f: {  	[sflag:s17] =	ssyncadd.s32 $0xFFFFC000;
	(pc) =	sbr.rel @p0 .LBB2_4-.Ltmp2, $4  }
0x140: {  	[spmem:s18] =	stream.indirect.scatter.add.f32 [tilespmem:s16], [sflag:$0x3], $0x80, s8, s14, $0xb8;
	[tilespmem:$0x1E000] =	vst v63  }
0x141: {  	_ =	swait.ge [sflag:s13], $0x4000  }
0x142: {  	[sflag:s13] =	ssyncset.done $0x0  }
0x143: {  	s30 =	smov.u32 s31;
	[sflag:s13] =	ssyncadd.s32 $0xFFFFC000  }
0x144: {  	[bflag:$0x0] =	sbarrier.arrive $0xFFFF  }
0x145: {  	s24 =	rddreg [dreg:$0x14]  }
0x146: {  	[tilespmem:s15], [sflag:$0x3] =	stream.linear.gather [spmem:s24], $0x4000, $0x38;
	[tilespmem:$0x1E000] =	vst v63  }
0x147: {  	_ =	swait.ge [sflag:s13], $0x4000  }
0x148: {  	[sflag:s13] =	ssyncset.done $0x0  }
0x149: {  	s9 =	simm.s32 $0x0;
	s10 =	rddreg [dreg:$0x5];
	[sflag:s13] =	ssyncadd.s32 $0xFFFFC000  }
0x14a: {  	[hbm4b:s10+s9] =	stream.linear.scatter [tilespmem:s15], [sflag:$0x3], $0x4000, $0x38;
	[tilespmem:$0x1E000] =	vst v63  }
0x14b: {  	_ =	swait.ge [sflag:s13], $0x4000  }
0x14c: {  	[sflag:s13] =	ssyncset.done $0x0  }
0x14d: {  	s29 =	simm.s32 $0x9000;
	[sflag:s13] =	ssyncadd.s32 $0xFFFFC000  }
0x14e: {  	[spmem:s24] =	stream.linear.scatter [tilespmem:s29], [sflag:$0x3], $0x1000, $0x38;
	[tilespmem:$0x1E000] =	vst v63  }
0x14f: {  	_ =	swait.ge [sflag:s13], $0x1000  }
0x150: {  	[sflag:s13] =	ssyncset.done $0x0  }
0x151: {  	s11 =	rddreg [dreg:$0x1a];
	[sflag:s13] =	ssyncadd.s32 $0xFFFFF000  }
0x152: {  	[spmem:s11] =	stream.linear.scatter [tilespmem:s29], [sflag:$0x3], $0x1000, $0x38;
	[tilespmem:$0x1E000] =	vst v63  }
0x153: {  	_ =	swait.ge [sflag:s13], $0x1000  }
0x154: {  	[sflag:s13] =	ssyncset.done $0x0  }
0x155: {  	s11 =	rddreg [dreg:$0x1b];
	[sflag:s13] =	ssyncadd.s32 $0xFFFFF000  }
0x156: {  	[spmem:s11] =	stream.linear.scatter [tilespmem:s29], [sflag:$0x3], $0x1000, $0x38;
	[tilespmem:$0x1E000] =	vst v63  }
0x157: {  	_ =	swait.ge [sflag:s13], $0x1000  }
0x158: {  	[sflag:s13] =	ssyncset.done $0x0  }
0x159: {  	s11 =	rddreg [dreg:$0x1c];
	[sflag:s13] =	ssyncadd.s32 $0xFFFFF000  }
0x15a: {  	[spmem:s11] =	stream.linear.scatter [tilespmem:s29], [sflag:$0x3], $0x1000, $0x38;
	[tilespmem:$0x1E000] =	vst v63  }
0x15b: {  	_ =	swait.ge [sflag:s13], $0x1000  }
0x15c: {  	[sflag:s13] =	ssyncset.done $0x0  }
0x15d: {  	s11 =	rddreg [dreg:$0x16];
	[sflag:s13] =	ssyncadd.s32 $0xFFFFF000  }
0x15e: {  	[tilespmem:s15], [sflag:$0x3] =	stream.linear.gather [spmem:s11], $0x4000, $0x38;
	[tilespmem:$0x1E000] =	vst v63  }
0x15f: {  	_ =	swait.ge [sflag:s13], $0x4000  }
0x160: {  	[sflag:s13] =	ssyncset.done $0x0  }
0x161: {  	s10 =	rddreg [dreg:$0x6];
	[sflag:s13] =	ssyncadd.s32 $0xFFFFC000  }
0x162: {  	[hbm4b:s10+s9] =	stream.linear.scatter [tilespmem:s15], [sflag:$0x3], $0x4000, $0x38;
	[tilespmem:$0x1E000] =	vst v63  }
0x163: {  	_ =	swait.ge [sflag:s13], $0x4000  }
0x164: {  	[sflag:s13] =	ssyncset.done $0x0  }
0x165: {  	[sflag:s13] =	ssyncadd.s32 $0xFFFFC000  }
0x166: {  	[spmem:s11] =	stream.linear.scatter [tilespmem:s29], [sflag:$0x3], $0x1000, $0x38;
	[tilespmem:$0x1E000] =	vst v63  }
0x167: {  	_ =	swait.ge [sflag:s13], $0x1000  }
0x168: {  	s11 =	sld [smem:$0x7F2]  }
0x169: {  	[sflag:s13] =	ssyncset.done $0x0  }
0x16a: {  	[sflag:s13] =	ssyncadd.s32 $0xFFFFF000  }
0x16b: {  	[spmem:s11] =	stream.linear.scatter [tilespmem:s29], [sflag:$0x3], $0x1000, $0x38;
	[tilespmem:$0x1E000] =	vst v63  }
0x16c: {  	_ =	swait.ge [sflag:s13], $0x1000  }
0x16d: {  	s11 =	sld [smem:$0x7F3]  }
0x16e: {  	[sflag:s13] =	ssyncset.done $0x0  }
0x16f: {  	[sflag:s13] =	ssyncadd.s32 $0xFFFFF000  }
0x170: {  	[spmem:s11] =	stream.linear.scatter [tilespmem:s29], [sflag:$0x3], $0x1000, $0x38;
	[tilespmem:$0x1E000] =	vst v63  }
0x171: {  	_ =	swait.ge [sflag:s13], $0x1000  }
0x172: {  	s11 =	sld [smem:$0x7F4]  }
0x173: {  	[sflag:s13] =	ssyncset.done $0x0  }
0x174: {  	[sflag:s13] =	ssyncadd.s32 $0xFFFFF000  }
0x175: {  	[spmem:s11] =	stream.linear.scatter [tilespmem:s29], [sflag:$0x3], $0x1000, $0x38;
	[tilespmem:$0x1E000] =	vst v63  }
0x176: {  	_ =	swait.ge [sflag:s13], $0x1000  }
0x177: {  	[sflag:s13] =	ssyncset.done $0x0  }
0x178: {  	s11 =	rddreg [dreg:$0x17];
	[sflag:s13] =	ssyncadd.s32 $0xFFFFF000  }
0x179: {  	[tilespmem:s15], [sflag:$0x3] =	stream.linear.gather [spmem:s11], $0x4000, $0x38;
	[tilespmem:$0x1E000] =	vst v63  }
0x17a: {  	_ =	swait.ge [sflag:s13], $0x4000  }
0x17b: {  	[sflag:s13] =	ssyncset.done $0x0  }
0x17c: {  	s10 =	rddreg [dreg:$0x7];
	[sflag:s13] =	ssyncadd.s32 $0xFFFFC000  }
0x17d: {  	[hbm4b:s10+s9] =	stream.linear.scatter [tilespmem:s15], [sflag:$0x3], $0x4000, $0x38;
	[tilespmem:$0x1E000] =	vst v63  }
0x17e: {  	_ =	swait.ge [sflag:s13], $0x4000  }
0x17f: {  	[sflag:s13] =	ssyncset.done $0x0  }
0x180: {  	[sflag:s13] =	ssyncadd.s32 $0xFFFFC000  }
0x181: {  	[spmem:s11] =	stream.linear.scatter [tilespmem:s29], [sflag:$0x3], $0x1000, $0x38;
	[tilespmem:$0x1E000] =	vst v63  }
0x182: {  	_ =	swait.ge [sflag:s13], $0x1000  }
0x183: {  	s11 =	sld [smem:$0x7F5]  }
0x184: {  	[sflag:s13] =	ssyncset.done $0x0  }
0x185: {  	[sflag:s13] =	ssyncadd.s32 $0xFFFFF000  }
0x186: {  	[spmem:s11] =	stream.linear.scatter [tilespmem:s29], [sflag:$0x3], $0x1000, $0x38;
	[tilespmem:$0x1E000] =	vst v63  }
0x187: {  	_ =	swait.ge [sflag:s13], $0x1000  }
0x188: {  	s11 =	sld [smem:$0x7F6]  }
0x189: {  	[sflag:s13] =	ssyncset.done $0x0  }
0x18a: {  	[sflag:s13] =	ssyncadd.s32 $0xFFFFF000  }
0x18b: {  	[spmem:s11] =	stream.linear.scatter [tilespmem:s29], [sflag:$0x3], $0x1000, $0x38;
	[tilespmem:$0x1E000] =	vst v63  }
0x18c: {  	_ =	swait.ge [sflag:s13], $0x1000  }
0x18d: {  	s11 =	sld [smem:$0x7F7]  }
0x18e: {  	[sflag:s13] =	ssyncset.done $0x0  }
0x18f: {  	[sflag:s13] =	ssyncadd.s32 $0xFFFFF000  }
0x190: {  	[spmem:s11] =	stream.linear.scatter [tilespmem:s29], [sflag:$0x3], $0x1000, $0x38;
	[tilespmem:$0x1E000] =	vst v63  }
0x191: {  	_ =	swait.ge [sflag:s13], $0x1000  }
0x192: {  	[sflag:s13] =	ssyncset.done $0x0  }
0x193: {  	s11 =	rddreg [dreg:$0x18];
	[sflag:s13] =	ssyncadd.s32 $0xFFFFF000  }
0x194: {  	[tilespmem:s15], [sflag:$0x3] =	stream.linear.gather [spmem:s11], $0x4000, $0x38;
	[tilespmem:$0x1E000] =	vst v63  }
0x195: {  	_ =	swait.ge [sflag:s13], $0x4000  }
0x196: {  	[sflag:s13] =	ssyncset.done $0x0  }
0x197: {  	s10 =	rddreg [dreg:$0x8];
	[sflag:s13] =	ssyncadd.s32 $0xFFFFC000  }
0x198: {  	[hbm4b:s10+s9] =	stream.linear.scatter [tilespmem:s15], [sflag:$0x3], $0x4000, $0x38;
	[tilespmem:$0x1E000] =	vst v63  }
0x199: {  	_ =	swait.ge [sflag:s13], $0x4000  }
0x19a: {  	[sflag:s13] =	ssyncset.done $0x0  }
0x19b: {  	[sflag:s13] =	ssyncadd.s32 $0xFFFFC000  }
0x19c: {  	[spmem:s11] =	stream.linear.scatter [tilespmem:s29], [sflag:$0x3], $0x1000, $0x38;
	[tilespmem:$0x1E000] =	vst v63  }
0x19d: {  	_ =	swait.ge [sflag:s13], $0x1000  }
0x19e: {  	s11 =	sld [smem:$0x7F8]  }
0x19f: {  	[sflag:s13] =	ssyncset.done $0x0  }
0x1a0: {  	[sflag:s13] =	ssyncadd.s32 $0xFFFFF000  }
0x1a1: {  	[spmem:s11] =	stream.linear.scatter [tilespmem:s29], [sflag:$0x3], $0x1000, $0x38;
	[tilespmem:$0x1E000] =	vst v63  }
0x1a2: {  	_ =	swait.ge [sflag:s13], $0x1000  }
0x1a3: {  	s11 =	sld [smem:$0x7F9]  }
0x1a4: {  	[sflag:s13] =	ssyncset.done $0x0  }
0x1a5: {  	[sflag:s13] =	ssyncadd.s32 $0xFFFFF000  }
0x1a6: {  	[spmem:s11] =	stream.linear.scatter [tilespmem:s29], [sflag:$0x3], $0x1000, $0x38;
	[tilespmem:$0x1E000] =	vst v63  }
0x1a7: {  	_ =	swait.ge [sflag:s13], $0x1000  }
0x1a8: {  	s11 =	sld [smem:$0x7FA]  }
0x1a9: {  	[sflag:s13] =	ssyncset.done $0x0  }
0x1aa: {  	[sflag:s13] =	ssyncadd.s32 $0xFFFFF000  }
0x1ab: {  	[spmem:s11] =	stream.linear.scatter [tilespmem:s29], [sflag:$0x3], $0x1000, $0x38;
	[tilespmem:$0x1E000] =	vst v63  }
0x1ac: {  	_ =	swait.ge [sflag:s13], $0x1000  }
0x1ad: {  	[sflag:s13] =	ssyncset.done $0x0  }
0x1ae: {  	s11 =	rddreg [dreg:$0x19];
	[sflag:s13] =	ssyncadd.s32 $0xFFFFF000  }
0x1af: {  	[tilespmem:s15], [sflag:$0x3] =	stream.linear.gather [spmem:s11], $0x4000, $0x38;
	[tilespmem:$0x1E000] =	vst v63  }
0x1b0: {  	_ =	swait.ge [sflag:s13], $0x4000  }
0x1b1: {  	[sflag:s13] =	ssyncset.done $0x0  }
0x1b2: {  	s10 =	rddreg [dreg:$0x9];
	[sflag:s13] =	ssyncadd.s32 $0xFFFFC000  }
0x1b3: {  	[hbm4b:s10+s9] =	stream.linear.scatter [tilespmem:s15], [sflag:$0x3], $0x4000, $0x38;
	[tilespmem:$0x1E000] =	vst v63  }
0x1b4: {  	_ =	swait.ge [sflag:s13], $0x4000  }
0x1b5: {  	[sflag:s13] =	ssyncset.done $0x0  }
0x1b6: {  	[sflag:s13] =	ssyncadd.s32 $0xFFFFC000  }
0x1b7: {  	[spmem:s11] =	stream.linear.scatter [tilespmem:s29], [sflag:$0x3], $0x1000, $0x38;
	[tilespmem:$0x1E000] =	vst v63  }
0x1b8: {  	_ =	swait.ge [sflag:s13], $0x1000  }
0x1b9: {  	s11 =	sld [smem:$0x7FB]  }
0x1ba: {  	[sflag:s13] =	ssyncset.done $0x0  }
0x1bb: {  	[sflag:s13] =	ssyncadd.s32 $0xFFFFF000  }
0x1bc: {  	[spmem:s11] =	stream.linear.scatter [tilespmem:s29], [sflag:$0x3], $0x1000, $0x38;
	[tilespmem:$0x1E000] =	vst v63  }
0x1bd: {  	_ =	swait.ge [sflag:s13], $0x1000  }
0x1be: {  	s11 =	sld [smem:$0x7FC]  }
0x1bf: {  	[sflag:s13] =	ssyncset.done $0x0  }
0x1c0: {  	[sflag:s13] =	ssyncadd.s32 $0xFFFFF000  }
0x1c1: {  	[spmem:s11] =	stream.linear.scatter [tilespmem:s29], [sflag:$0x3], $0x1000, $0x38;
	[tilespmem:$0x1E000] =	vst v63  }
0x1c2: {  	_ =	swait.ge [sflag:s13], $0x1000  }
0x1c3: {  	s11 =	sld [smem:$0x7FD]  }
0x1c4: {  	[sflag:s13] =	ssyncset.done $0x0  }
0x1c5: {  	[sflag:s13] =	ssyncadd.s32 $0xFFFFF000  }
0x1c6: {  	[spmem:s11] =	stream.linear.scatter [tilespmem:s29], [sflag:$0x3], $0x1000, $0x38;
	[tilespmem:$0x1E000] =	vst v63  }
0x1c7: {  	_ =	swait.ge [sflag:s13], $0x1000  }
0x1c8: {  	[sflag:s13] =	ssyncset.done $0x0  }
0x1c9: {  	[sflag:s13] =	ssyncadd.s32 $0xFFFFF000  }
0x1ca: {  	s31 =	simm.s32 $0x0;
	s10 =	simm.s32 $0x0;
	[bflag:$0x0] =	sbarrier.arrive $0xFFFF  }
.LBB2_8:
0x1cb: {  	s11 =	sshll.u32 s10, $0xB  }
0x1cc: {  	s11 =	sadd.s32 s22, s11  }
0x1cd: {  	s11 =	sshrl.u32 s11, $0x3  }
0x1ce: {  	s11 =	sadd.s32 s30, s11  }
0x1cf: {  	[tilespmem:s9], [sflag:$0x3] =	stream.linear.gather [hbm4b:s11+s9], $0x800, $0x38;
	[tilespmem:$0x1E000] =	vst v63  }
0x1d0: {  	_ =	swait.ge [sflag:s13], $0x800  }
0x1d1: {  	[sflag:s13] =	ssyncset.done $0x0  }
0x1d2: {  	s29 =	simm.s32 $0x40;
	s11 =	simm.s32 $0x0;
	[sflag:s13] =	ssyncadd.s32 $0xFFFFF800  }
.LBB2_9:
0x1d3: {  	p0 =	sne.s32 s29, $0x1FC0;
	v1 =	vld [tilespmem:s11+$0x0];
	_ =	sdelay $0x2  }
.Ltmp3:
0x1d4: {  	(pc) =	sbr.rel @p0 .LBB2_9-.Ltmp3, $4  }
0x1d5: {  	_ = 	snop  }
0x1d6: {  	v2 =	vand.u32 $0xFFFF, v1;
	v1 =	vshrl.u32 v1, $0x10  }
0x1d7: {  	[tilespmem:s11+$0x800] =	vst v2;
	v1 =	vadd.s32 $0x2710, v1  }
0x1d8: {  	[tilespmem:s11+$0x0] =	vst v1;
	s11 =	sshra.s32 s29, $0x2;
	s29 =	sadd.s32 $0x40, s29  }
0x1d9: {  	v1 =	vld [tilespmem:s11+$0x0];
	_ =	sdelay $0x4  }
0x1da: {  	v2 =	vand.u32 $0xFFFF, v1;
	v1 =	vshrl.u32 v1, $0x10  }
0x1db: {  	[tilespmem:s11+$0x800] =	vst v2;
	v1 =	vadd.s32 $0x2710, v1  }
0x1dc: {  	[tilespmem:s11+$0x0] =	vst v1  }
0x1dd: {  	[tilespmem:s15], [sflag:$0x1] =	stream.indirect.gather [hbm4b:s1+s14], $0x80, s31, s14, $0xb8;
	[tilespmem:$0x1E000] =	vst v63  }
0x1de: {  	_ = 	snop  }
0x1df: {  	[tilespmem:s16], [sflag:$0x2] =	stream.indirect.gather [hbm4b:s1+s14], $0x80, s14, s14, $0xb8;
	[tilespmem:$0x1E000] =	vst v63  }
0x1e0: {  	_ =	swait.ge [sflag:s19], $0x4000  }
0x1e1: {  	[sflag:s19] =	ssyncset.done $0x0  }
0x1e2: {  	s29 =	simm.s32 $0x800;
	[sflag:s19] =	ssyncadd.s32 $0xFFFFC000  }
0x1e3: {  	[spmem:s18] =	stream.indirect.scatter.add.f32 [tilespmem:s15], [sflag:$0x3], $0x80, s29, s14, $0xb8;
	[tilespmem:$0x1E000] =	vst v63  }
0x1e4: {  	_ =	swait.ge [sflag:s13], $0x4000  }
0x1e5: {  	[sflag:s13] =	ssyncset.done $0x0  }
0x1e6: {  	s29 =	simm.s32 $0x100;
	[sflag:s13] =	ssyncadd.s32 $0xFFFFC000  }
0x1e7: {  	[tilespmem:s15], [sflag:$0x1] =	stream.indirect.gather [hbm4b:s1+s14], $0x80, s29, s14, $0xb8;
	[tilespmem:$0x1E000] =	vst v63  }
0x1e8: {  	_ =	swait.ge [sflag:s17], $0x4000  }
0x1e9: {  	[sflag:s17] =	ssyncset.done $0x0  }
0x1ea: {  	s29 =	simm.s32 $0x880;
	[sflag:s17] =	ssyncadd.s32 $0xFFFFC000  }
0x1eb: {  	[spmem:s18] =	stream.indirect.scatter.add.f32 [tilespmem:s16], [sflag:$0x3], $0x80, s29, s14, $0xb8;
	[tilespmem:$0x1E000] =	vst v63  }
0x1ec: {  	_ =	swait.ge [sflag:s13], $0x4000  }
0x1ed: {  	[sflag:s13] =	ssyncset.done $0x0  }
0x1ee: {  	s29 =	simm.s32 $0x180;
	[sflag:s13] =	ssyncadd.s32 $0xFFFFC000  }
0x1ef: {  	[tilespmem:s16], [sflag:$0x2] =	stream.indirect.gather [hbm4b:s1+s14], $0x80, s29, s14, $0xb8;
	[tilespmem:$0x1E000] =	vst v63  }
0x1f0: {  	_ =	swait.ge [sflag:s19], $0x4000  }
0x1f1: {  	[sflag:s19] =	ssyncset.done $0x0  }
0x1f2: {  	s29 =	simm.s32 $0x900;
	[sflag:s19] =	ssyncadd.s32 $0xFFFFC000  }
0x1f3: {  	[spmem:s18] =	stream.indirect.scatter.add.f32 [tilespmem:s15], [sflag:$0x3], $0x80, s29, s14, $0xb8;
	[tilespmem:$0x1E000] =	vst v63  }
0x1f4: {  	_ =	swait.ge [sflag:s13], $0x4000  }
0x1f5: {  	[sflag:s13] =	ssyncset.done $0x0  }
0x1f6: {  	s29 =	simm.s32 $0x200;
	[sflag:s13] =	ssyncadd.s32 $0xFFFFC000  }
0x1f7: {  	[tilespmem:s15], [sflag:$0x1] =	stream.indirect.gather [hbm4b:s1+s14], $0x80, s29, s14, $0xb8;
	[tilespmem:$0x1E000] =	vst v63  }
0x1f8: {  	_ =	swait.ge [sflag:s17], $0x4000  }
0x1f9: {  	[sflag:s17] =	ssyncset.done $0x0  }
0x1fa: {  	s29 =	simm.s32 $0x980;
	[sflag:s17] =	ssyncadd.s32 $0xFFFFC000  }
0x1fb: {  	[spmem:s18] =	stream.indirect.scatter.add.f32 [tilespmem:s16], [sflag:$0x3], $0x80, s29, s14, $0xb8;
	[tilespmem:$0x1E000] =	vst v63  }
0x1fc: {  	_ =	swait.ge [sflag:s13], $0x4000  }
0x1fd: {  	[sflag:s13] =	ssyncset.done $0x0  }
0x1fe: {  	s29 =	simm.s32 $0x280;
	[sflag:s13] =	ssyncadd.s32 $0xFFFFC000  }
0x1ff: {  	[tilespmem:s16], [sflag:$0x2] =	stream.indirect.gather [hbm4b:s1+s14], $0x80, s29, s14, $0xb8;
	[tilespmem:$0x1E000] =	vst v63  }
0x200: {  	_ =	swait.ge [sflag:s19], $0x4000  }
0x201: {  	[sflag:s19] =	ssyncset.done $0x0  }
0x202: {  	s29 =	simm.s32 $0xA00;
	[sflag:s19] =	ssyncadd.s32 $0xFFFFC000  }
0x203: {  	[spmem:s18] =	stream.indirect.scatter.add.f32 [tilespmem:s15], [sflag:$0x3], $0x80, s29, s14, $0xb8;
	[tilespmem:$0x1E000] =	vst v63  }
0x204: {  	_ =	swait.ge [sflag:s13], $0x4000  }
0x205: {  	[sflag:s13] =	ssyncset.done $0x0  }
0x206: {  	s29 =	simm.s32 $0x300;
	[sflag:s13] =	ssyncadd.s32 $0xFFFFC000  }
0x207: {  	[tilespmem:s15], [sflag:$0x1] =	stream.indirect.gather [hbm4b:s1+s14], $0x80, s29, s14, $0xb8;
	[tilespmem:$0x1E000] =	vst v63  }
0x208: {  	_ =	swait.ge [sflag:s17], $0x4000  }
0x209: {  	[sflag:s17] =	ssyncset.done $0x0  }
0x20a: {  	s29 =	simm.s32 $0xA80;
	[sflag:s17] =	ssyncadd.s32 $0xFFFFC000  }
0x20b: {  	[spmem:s18] =	stream.indirect.scatter.add.f32 [tilespmem:s16], [sflag:$0x3], $0x80, s29, s14, $0xb8;
	[tilespmem:$0x1E000] =	vst v63  }
0x20c: {  	_ =	swait.ge [sflag:s13], $0x4000  }
0x20d: {  	[sflag:s13] =	ssyncset.done $0x0  }
0x20e: {  	s29 =	simm.s32 $0x380;
	[sflag:s13] =	ssyncadd.s32 $0xFFFFC000  }
0x20f: {  	[tilespmem:s16], [sflag:$0x2] =	stream.indirect.gather [hbm4b:s1+s14], $0x80, s29, s14, $0xb8;
	[tilespmem:$0x1E000] =	vst v63  }
0x210: {  	_ =	swait.ge [sflag:s19], $0x4000  }
0x211: {  	[sflag:s19] =	ssyncset.done $0x0  }
0x212: {  	s29 =	simm.s32 $0xB00;
	[sflag:s19] =	ssyncadd.s32 $0xFFFFC000  }
0x213: {  	[spmem:s18] =	stream.indirect.scatter.add.f32 [tilespmem:s15], [sflag:$0x3], $0x80, s29, s14, $0xb8;
	[tilespmem:$0x1E000] =	vst v63  }
0x214: {  	_ =	swait.ge [sflag:s13], $0x4000  }
0x215: {  	[sflag:s13] =	ssyncset.done $0x0  }
0x216: {  	s29 =	simm.s32 $0x400;
	[sflag:s13] =	ssyncadd.s32 $0xFFFFC000  }
0x217: {  	[tilespmem:s15], [sflag:$0x1] =	stream.indirect.gather [hbm4b:s1+s14], $0x80, s29, s14, $0xb8;
	[tilespmem:$0x1E000] =	vst v63  }
0x218: {  	_ =	swait.ge [sflag:s17], $0x4000  }
0x219: {  	[sflag:s17] =	ssyncset.done $0x0  }
0x21a: {  	s29 =	simm.s32 $0xB80;
	[sflag:s17] =	ssyncadd.s32 $0xFFFFC000  }
0x21b: {  	[spmem:s18] =	stream.indirect.scatter.add.f32 [tilespmem:s16], [sflag:$0x3], $0x80, s29, s14, $0xb8;
	[tilespmem:$0x1E000] =	vst v63  }
0x21c: {  	_ =	swait.ge [sflag:s13], $0x4000  }
0x21d: {  	[sflag:s13] =	ssyncset.done $0x0  }
0x21e: {  	[sflag:s13] =	ssyncadd.s32 $0xFFFFC000  }
0x21f: {  	[tilespmem:s16], [sflag:$0x2] =	stream.indirect.gather [hbm4b:s1+s14], $0x80, s25, s14, $0xb8;
	[tilespmem:$0x1E000] =	vst v63  }
0x220: {  	_ =	swait.ge [sflag:s19], $0x4000  }
0x221: {  	[sflag:s19] =	ssyncset.done $0x0  }
0x222: {  	[sflag:s19] =	ssyncadd.s32 $0xFFFFC000  }
0x223: {  	[spmem:s18] =	stream.indirect.scatter.add.f32 [tilespmem:s15], [sflag:$0x3], $0x80, s26, s14, $0xb8;
	[tilespmem:$0x1E000] =	vst v63  }
0x224: {  	_ =	swait.ge [sflag:s13], $0x4000  }
0x225: {  	[sflag:s13] =	ssyncset.done $0x0  }
0x226: {  	[sflag:s13] =	ssyncadd.s32 $0xFFFFC000  }
0x227: {  	[tilespmem:s15], [sflag:$0x1] =	stream.indirect.gather [hbm4b:s1+s14], $0x80, s28, s14, $0xb8;
	[tilespmem:$0x1E000] =	vst v63  }
0x228: {  	_ =	swait.ge [sflag:s17], $0x4000  }
0x229: {  	[sflag:s17] =	ssyncset.done $0x0  }
0x22a: {  	[sflag:s17] =	ssyncadd.s32 $0xFFFFC000  }
0x22b: {  	[spmem:s18] =	stream.indirect.scatter.add.f32 [tilespmem:s16], [sflag:$0x3], $0x80, s21, s14, $0xb8;
	[tilespmem:$0x1E000] =	vst v63  }
0x22c: {  	_ =	swait.ge [sflag:s13], $0x4000  }
0x22d: {  	[sflag:s13] =	ssyncset.done $0x0  }
0x22e: {  	[sflag:s13] =	ssyncadd.s32 $0xFFFFC000  }
0x22f: {  	[tilespmem:s16], [sflag:$0x2] =	stream.indirect.gather [hbm4b:s1+s14], $0x80, s12, s14, $0xb8;
	[tilespmem:$0x1E000] =	vst v63  }
0x230: {  	_ =	swait.ge [sflag:s19], $0x4000  }
0x231: {  	[sflag:s19] =	ssyncset.done $0x0  }
0x232: {  	[sflag:s19] =	ssyncadd.s32 $0xFFFFC000  }
0x233: {  	[spmem:s18] =	stream.indirect.scatter.add.f32 [tilespmem:s15], [sflag:$0x3], $0x80, s2, s14, $0xb8;
	[tilespmem:$0x1E000] =	vst v63  }
0x234: {  	_ =	swait.ge [sflag:s13], $0x4000  }
0x235: {  	[sflag:s13] =	ssyncset.done $0x0  }
0x236: {  	[sflag:s13] =	ssyncadd.s32 $0xFFFFC000  }
0x237: {  	[tilespmem:s15], [sflag:$0x1] =	stream.indirect.gather [hbm4b:s1+s14], $0x80, s3, s14, $0xb8;
	[tilespmem:$0x1E000] =	vst v63  }
0x238: {  	_ =	swait.ge [sflag:s17], $0x4000  }
0x239: {  	[sflag:s17] =	ssyncset.done $0x0  }
0x23a: {  	[sflag:s17] =	ssyncadd.s32 $0xFFFFC000  }
0x23b: {  	[spmem:s18] =	stream.indirect.scatter.add.f32 [tilespmem:s16], [sflag:$0x3], $0x80, s20, s14, $0xb8;
	[tilespmem:$0x1E000] =	vst v63  }
0x23c: {  	_ =	swait.ge [sflag:s13], $0x4000  }
0x23d: {  	[sflag:s13] =	ssyncset.done $0x0  }
0x23e: {  	[sflag:s13] =	ssyncadd.s32 $0xFFFFC000  }
0x23f: {  	[tilespmem:s16], [sflag:$0x2] =	stream.indirect.gather [hbm4b:s1+s14], $0x80, s23, s14, $0xb8;
	[tilespmem:$0x1E000] =	vst v63  }
0x240: {  	_ =	swait.ge [sflag:s19], $0x4000  }
0x241: {  	[sflag:s19] =	ssyncset.done $0x0  }
0x242: {  	[sflag:s19] =	ssyncadd.s32 $0xFFFFC000  }
0x243: {  	[spmem:s18] =	stream.indirect.scatter.add.f32 [tilespmem:s15], [sflag:$0x3], $0x80, s0, s14, $0xb8;
	[tilespmem:$0x1E000] =	vst v63  }
0x244: {  	_ =	swait.ge [sflag:s13], $0x4000  }
0x245: {  	[sflag:s13] =	ssyncset.done $0x0  }
0x246: {  	[sflag:s13] =	ssyncadd.s32 $0xFFFFC000  }
0x247: {  	[tilespmem:s15], [sflag:$0x1] =	stream.indirect.gather [hbm4b:s1+s14], $0x80, s4, s14, $0xb8;
	[tilespmem:$0x1E000] =	vst v63  }
0x248: {  	_ =	swait.ge [sflag:s17], $0x4000  }
0x249: {  	[sflag:s17] =	ssyncset.done $0x0  }
0x24a: {  	[sflag:s17] =	ssyncadd.s32 $0xFFFFC000  }
0x24b: {  	[spmem:s18] =	stream.indirect.scatter.add.f32 [tilespmem:s16], [sflag:$0x3], $0x80, s5, s14, $0xb8;
	[tilespmem:$0x1E000] =	vst v63  }
0x24c: {  	_ =	swait.ge [sflag:s13], $0x4000  }
0x24d: {  	[sflag:s13] =	ssyncset.done $0x0  }
0x24e: {  	[sflag:s13] =	ssyncadd.s32 $0xFFFFC000  }
0x24f: {  	[tilespmem:s16], [sflag:$0x2] =	stream.indirect.gather [hbm4b:s1+s14], $0x80, s6, s14, $0xb8;
	[tilespmem:$0x1E000] =	vst v63  }
0x250: {  	_ =	swait.ge [sflag:s19], $0x4000  }
0x251: {  	[sflag:s19] =	ssyncset.done $0x0  }
0x252: {  	[sflag:s19] =	ssyncadd.s32 $0xFFFFC000  }
0x253: {  	[spmem:s18] =	stream.indirect.scatter.add.f32 [tilespmem:s15], [sflag:$0x3], $0x80, s7, s14, $0xb8;
	[tilespmem:$0x1E000] =	vst v63  }
0x254: {  	_ =	swait.ge [sflag:s13], $0x4000  }
0x255: {  	[sflag:s13] =	ssyncset.done $0x0  }
0x256: {  	[sflag:s13] =	ssyncadd.s32 $0xFFFFC000  }
0x257: {  	s10 =	sadd.s32 $0x1, s10;
	_ =	swait.ge [sflag:s17], $0x4000  }
0x258: {  	p0 =	sne.s32 s10, $0x5;
	[sflag:s17] =	ssyncset.done $0x0  }
.Ltmp4:
0x259: {  	[sflag:s17] =	ssyncadd.s32 $0xFFFFC000;
	(pc) =	sbr.rel @p0 .LBB2_8-.Ltmp4, $4  }
0x25a: {  	[spmem:s18] =	stream.indirect.scatter.add.f32 [tilespmem:s16], [sflag:$0x3], $0x80, s8, s14, $0xb8;
	[tilespmem:$0x1E000] =	vst v63  }
0x25b: {  	_ =	swait.ge [sflag:s13], $0x4000  }
0x25c: {  	[sflag:s13] =	ssyncset.done $0x0  }
0x25d: {  	[sflag:s13] =	ssyncadd.s32 $0xFFFFC000  }
0x25e: {  	[bflag:$0x0] =	sbarrier.arrive $0xFFFF  }
0x25f: {  	[tilespmem:s15], [sflag:$0x3] =	stream.linear.gather [spmem:s24], $0x4000, $0x38;
	[tilespmem:$0x1E000] =	vst v63  }
0x260: {  	_ =	swait.ge [sflag:s13], $0x4000  }
0x261: {  	[sflag:s13] =	ssyncset.done $0x0  }
0x262: {  	s9 =	simm.s32 $0x0;
	s10 =	rddreg [dreg:$0xa];
	[sflag:s13] =	ssyncadd.s32 $0xFFFFC000  }
0x263: {  	[hbm4b:s10+s9] =	stream.linear.scatter [tilespmem:s15], [sflag:$0x3], $0x4000, $0x38;
	[tilespmem:$0x1E000] =	vst v63  }
0x264: {  	_ =	swait.ge [sflag:s13], $0x4000  }
0x265: {  	[sflag:s13] =	ssyncset.done $0x0  }
0x266: {  	s29 =	simm.s32 $0x9000;
	[sflag:s13] =	ssyncadd.s32 $0xFFFFC000  }
0x267: {  	[spmem:s24] =	stream.linear.scatter [tilespmem:s29], [sflag:$0x3], $0x1000, $0x38;
	[tilespmem:$0x1E000] =	vst v63  }
0x268: {  	_ =	swait.ge [sflag:s13], $0x1000  }
0x269: {  	[sflag:s13] =	ssyncset.done $0x0  }
0x26a: {  	s11 =	rddreg [dreg:$0x1a];
	[sflag:s13] =	ssyncadd.s32 $0xFFFFF000  }
0x26b: {  	[spmem:s11] =	stream.linear.scatter [tilespmem:s29], [sflag:$0x3], $0x1000, $0x38;
	[tilespmem:$0x1E000] =	vst v63  }
0x26c: {  	_ =	swait.ge [sflag:s13], $0x1000  }
0x26d: {  	[sflag:s13] =	ssyncset.done $0x0  }
0x26e: {  	s11 =	rddreg [dreg:$0x1b];
	[sflag:s13] =	ssyncadd.s32 $0xFFFFF000  }
0x26f: {  	[spmem:s11] =	stream.linear.scatter [tilespmem:s29], [sflag:$0x3], $0x1000, $0x38;
	[tilespmem:$0x1E000] =	vst v63  }
0x270: {  	_ =	swait.ge [sflag:s13], $0x1000  }
0x271: {  	[sflag:s13] =	ssyncset.done $0x0  }
0x272: {  	s11 =	rddreg [dreg:$0x1c];
	[sflag:s13] =	ssyncadd.s32 $0xFFFFF000  }
0x273: {  	[spmem:s11] =	stream.linear.scatter [tilespmem:s29], [sflag:$0x3], $0x1000, $0x38;
	[tilespmem:$0x1E000] =	vst v63  }
0x274: {  	_ =	swait.ge [sflag:s13], $0x1000  }
0x275: {  	[sflag:s13] =	ssyncset.done $0x0  }
0x276: {  	s11 =	rddreg [dreg:$0x16];
	[sflag:s13] =	ssyncadd.s32 $0xFFFFF000  }
0x277: {  	[tilespmem:s15], [sflag:$0x3] =	stream.linear.gather [spmem:s11], $0x4000, $0x38;
	[tilespmem:$0x1E000] =	vst v63  }
0x278: {  	_ =	swait.ge [sflag:s13], $0x4000  }
0x279: {  	[sflag:s13] =	ssyncset.done $0x0  }
0x27a: {  	s10 =	rddreg [dreg:$0xb];
	[sflag:s13] =	ssyncadd.s32 $0xFFFFC000  }
0x27b: {  	[hbm4b:s10+s9] =	stream.linear.scatter [tilespmem:s15], [sflag:$0x3], $0x4000, $0x38;
	[tilespmem:$0x1E000] =	vst v63  }
0x27c: {  	_ =	swait.ge [sflag:s13], $0x4000  }
0x27d: {  	[sflag:s13] =	ssyncset.done $0x0  }
0x27e: {  	[sflag:s13] =	ssyncadd.s32 $0xFFFFC000  }
0x27f: {  	[spmem:s11] =	stream.linear.scatter [tilespmem:s29], [sflag:$0x3], $0x1000, $0x38;
	[tilespmem:$0x1E000] =	vst v63  }
0x280: {  	_ =	swait.ge [sflag:s13], $0x1000  }
0x281: {  	s11 =	sld [smem:$0x7F2]  }
0x282: {  	[sflag:s13] =	ssyncset.done $0x0  }
0x283: {  	[sflag:s13] =	ssyncadd.s32 $0xFFFFF000  }
0x284: {  	[spmem:s11] =	stream.linear.scatter [tilespmem:s29], [sflag:$0x3], $0x1000, $0x38;
	[tilespmem:$0x1E000] =	vst v63  }
0x285: {  	_ =	swait.ge [sflag:s13], $0x1000  }
0x286: {  	s11 =	sld [smem:$0x7F3]  }
0x287: {  	[sflag:s13] =	ssyncset.done $0x0  }
0x288: {  	[sflag:s13] =	ssyncadd.s32 $0xFFFFF000  }
0x289: {  	[spmem:s11] =	stream.linear.scatter [tilespmem:s29], [sflag:$0x3], $0x1000, $0x38;
	[tilespmem:$0x1E000] =	vst v63  }
0x28a: {  	_ =	swait.ge [sflag:s13], $0x1000  }
0x28b: {  	s11 =	sld [smem:$0x7F4]  }
0x28c: {  	[sflag:s13] =	ssyncset.done $0x0  }
0x28d: {  	[sflag:s13] =	ssyncadd.s32 $0xFFFFF000  }
0x28e: {  	[spmem:s11] =	stream.linear.scatter [tilespmem:s29], [sflag:$0x3], $0x1000, $0x38;
	[tilespmem:$0x1E000] =	vst v63  }
0x28f: {  	_ =	swait.ge [sflag:s13], $0x1000  }
0x290: {  	[sflag:s13] =	ssyncset.done $0x0  }
0x291: {  	s11 =	rddreg [dreg:$0x17];
	[sflag:s13] =	ssyncadd.s32 $0xFFFFF000  }
0x292: {  	[tilespmem:s15], [sflag:$0x3] =	stream.linear.gather [spmem:s11], $0x4000, $0x38;
	[tilespmem:$0x1E000] =	vst v63  }
0x293: {  	_ =	swait.ge [sflag:s13], $0x4000  }
0x294: {  	[sflag:s13] =	ssyncset.done $0x0  }
0x295: {  	s10 =	rddreg [dreg:$0xc];
	[sflag:s13] =	ssyncadd.s32 $0xFFFFC000  }
0x296: {  	[hbm4b:s10+s9] =	stream.linear.scatter [tilespmem:s15], [sflag:$0x3], $0x4000, $0x38;
	[tilespmem:$0x1E000] =	vst v63  }
0x297: {  	_ =	swait.ge [sflag:s13], $0x4000  }
0x298: {  	[sflag:s13] =	ssyncset.done $0x0  }
0x299: {  	[sflag:s13] =	ssyncadd.s32 $0xFFFFC000  }
0x29a: {  	[spmem:s11] =	stream.linear.scatter [tilespmem:s29], [sflag:$0x3], $0x1000, $0x38;
	[tilespmem:$0x1E000] =	vst v63  }
0x29b: {  	_ =	swait.ge [sflag:s13], $0x1000  }
0x29c: {  	s11 =	sld [smem:$0x7F5]  }
0x29d: {  	[sflag:s13] =	ssyncset.done $0x0  }
0x29e: {  	[sflag:s13] =	ssyncadd.s32 $0xFFFFF000  }
0x29f: {  	[spmem:s11] =	stream.linear.scatter [tilespmem:s29], [sflag:$0x3], $0x1000, $0x38;
	[tilespmem:$0x1E000] =	vst v63  }
0x2a0: {  	_ =	swait.ge [sflag:s13], $0x1000  }
0x2a1: {  	s11 =	sld [smem:$0x7F6]  }
0x2a2: {  	[sflag:s13] =	ssyncset.done $0x0  }
0x2a3: {  	[sflag:s13] =	ssyncadd.s32 $0xFFFFF000  }
0x2a4: {  	[spmem:s11] =	stream.linear.scatter [tilespmem:s29], [sflag:$0x3], $0x1000, $0x38;
	[tilespmem:$0x1E000] =	vst v63  }
0x2a5: {  	_ =	swait.ge [sflag:s13], $0x1000  }
0x2a6: {  	s11 =	sld [smem:$0x7F7]  }
0x2a7: {  	[sflag:s13] =	ssyncset.done $0x0  }
0x2a8: {  	[sflag:s13] =	ssyncadd.s32 $0xFFFFF000  }
0x2a9: {  	[spmem:s11] =	stream.linear.scatter [tilespmem:s29], [sflag:$0x3], $0x1000, $0x38;
	[tilespmem:$0x1E000] =	vst v63  }
0x2aa: {  	_ =	swait.ge [sflag:s13], $0x1000  }
0x2ab: {  	[sflag:s13] =	ssyncset.done $0x0  }
0x2ac: {  	s11 =	rddreg [dreg:$0x18];
	[sflag:s13] =	ssyncadd.s32 $0xFFFFF000  }
0x2ad: {  	[tilespmem:s15], [sflag:$0x3] =	stream.linear.gather [spmem:s11], $0x4000, $0x38;
	[tilespmem:$0x1E000] =	vst v63  }
0x2ae: {  	_ =	swait.ge [sflag:s13], $0x4000  }
0x2af: {  	[sflag:s13] =	ssyncset.done $0x0  }
0x2b0: {  	s10 =	rddreg [dreg:$0xd];
	[sflag:s13] =	ssyncadd.s32 $0xFFFFC000  }
0x2b1: {  	[hbm4b:s10+s9] =	stream.linear.scatter [tilespmem:s15], [sflag:$0x3], $0x4000, $0x38;
	[tilespmem:$0x1E000] =	vst v63  }
0x2b2: {  	_ =	swait.ge [sflag:s13], $0x4000  }
0x2b3: {  	[sflag:s13] =	ssyncset.done $0x0  }
0x2b4: {  	[sflag:s13] =	ssyncadd.s32 $0xFFFFC000  }
0x2b5: {  	[spmem:s11] =	stream.linear.scatter [tilespmem:s29], [sflag:$0x3], $0x1000, $0x38;
	[tilespmem:$0x1E000] =	vst v63  }
0x2b6: {  	_ =	swait.ge [sflag:s13], $0x1000  }
0x2b7: {  	s11 =	sld [smem:$0x7F8]  }
0x2b8: {  	[sflag:s13] =	ssyncset.done $0x0  }
0x2b9: {  	[sflag:s13] =	ssyncadd.s32 $0xFFFFF000  }
0x2ba: {  	[spmem:s11] =	stream.linear.scatter [tilespmem:s29], [sflag:$0x3], $0x1000, $0x38;
	[tilespmem:$0x1E000] =	vst v63  }
0x2bb: {  	_ =	swait.ge [sflag:s13], $0x1000  }
0x2bc: {  	s11 =	sld [smem:$0x7F9]  }
0x2bd: {  	[sflag:s13] =	ssyncset.done $0x0  }
0x2be: {  	[sflag:s13] =	ssyncadd.s32 $0xFFFFF000  }
0x2bf: {  	[spmem:s11] =	stream.linear.scatter [tilespmem:s29], [sflag:$0x3], $0x1000, $0x38;
	[tilespmem:$0x1E000] =	vst v63  }
0x2c0: {  	_ =	swait.ge [sflag:s13], $0x1000  }
0x2c1: {  	s11 =	sld [smem:$0x7FA]  }
0x2c2: {  	[sflag:s13] =	ssyncset.done $0x0  }
0x2c3: {  	[sflag:s13] =	ssyncadd.s32 $0xFFFFF000  }
0x2c4: {  	[spmem:s11] =	stream.linear.scatter [tilespmem:s29], [sflag:$0x3], $0x1000, $0x38;
	[tilespmem:$0x1E000] =	vst v63  }
0x2c5: {  	_ =	swait.ge [sflag:s13], $0x1000  }
0x2c6: {  	[sflag:s13] =	ssyncset.done $0x0  }
0x2c7: {  	s11 =	rddreg [dreg:$0x19];
	[sflag:s13] =	ssyncadd.s32 $0xFFFFF000  }
0x2c8: {  	[tilespmem:s15], [sflag:$0x3] =	stream.linear.gather [spmem:s11], $0x4000, $0x38;
	[tilespmem:$0x1E000] =	vst v63  }
0x2c9: {  	_ =	swait.ge [sflag:s13], $0x4000  }
0x2ca: {  	[sflag:s13] =	ssyncset.done $0x0  }
0x2cb: {  	s10 =	rddreg [dreg:$0xe];
	[sflag:s13] =	ssyncadd.s32 $0xFFFFC000  }
0x2cc: {  	[hbm4b:s10+s9] =	stream.linear.scatter [tilespmem:s15], [sflag:$0x3], $0x4000, $0x38;
	[tilespmem:$0x1E000] =	vst v63  }
0x2cd: {  	_ =	swait.ge [sflag:s13], $0x4000  }
0x2ce: {  	[sflag:s13] =	ssyncset.done $0x0  }
0x2cf: {  	[sflag:s13] =	ssyncadd.s32 $0xFFFFC000  }
0x2d0: {  	[spmem:s11] =	stream.linear.scatter [tilespmem:s29], [sflag:$0x3], $0x1000, $0x38;
	[tilespmem:$0x1E000] =	vst v63  }
0x2d1: {  	_ =	swait.ge [sflag:s13], $0x1000  }
0x2d2: {  	s11 =	sld [smem:$0x7FB]  }
0x2d3: {  	[sflag:s13] =	ssyncset.done $0x0  }
0x2d4: {  	[sflag:s13] =	ssyncadd.s32 $0xFFFFF000  }
0x2d5: {  	[spmem:s11] =	stream.linear.scatter [tilespmem:s29], [sflag:$0x3], $0x1000, $0x38;
	[tilespmem:$0x1E000] =	vst v63  }
0x2d6: {  	_ =	swait.ge [sflag:s13], $0x1000  }
0x2d7: {  	s11 =	sld [smem:$0x7FC]  }
0x2d8: {  	[sflag:s13] =	ssyncset.done $0x0  }
0x2d9: {  	[sflag:s13] =	ssyncadd.s32 $0xFFFFF000  }
0x2da: {  	[spmem:s11] =	stream.linear.scatter [tilespmem:s29], [sflag:$0x3], $0x1000, $0x38;
	[tilespmem:$0x1E000] =	vst v63  }
0x2db: {  	_ =	swait.ge [sflag:s13], $0x1000  }
0x2dc: {  	s11 =	sld [smem:$0x7FD]  }
0x2dd: {  	[sflag:s13] =	ssyncset.done $0x0  }
0x2de: {  	[sflag:s13] =	ssyncadd.s32 $0xFFFFF000  }
0x2df: {  	[spmem:s11] =	stream.linear.scatter [tilespmem:s29], [sflag:$0x3], $0x1000, $0x38;
	[tilespmem:$0x1E000] =	vst v63  }
0x2e0: {  	_ =	swait.ge [sflag:s13], $0x1000  }
0x2e1: {  	[sflag:s13] =	ssyncset.done $0x0  }
0x2e2: {  	[sflag:s13] =	ssyncadd.s32 $0xFFFFF000  }
0x2e3: {  	s10 =	simm.s32 $0x0;
	[bflag:$0x0] =	sbarrier.arrive $0xFFFF  }
.LBB2_12:
0x2e4: {  	s11 =	sshll.u32 s10, $0xB  }
0x2e5: {  	s11 =	sadd.s32 s22, s11  }
0x2e6: {  	s11 =	sshrl.u32 s11, $0x3  }
0x2e7: {  	s11 =	sadd.s32 s30, s11  }
0x2e8: {  	[tilespmem:s9], [sflag:$0x3] =	stream.linear.gather [hbm4b:s11+s9], $0x800, $0x38;
	[tilespmem:$0x1E000] =	vst v63  }
0x2e9: {  	_ =	swait.ge [sflag:s13], $0x800  }
0x2ea: {  	[sflag:s13] =	ssyncset.done $0x0  }
0x2eb: {  	s29 =	simm.s32 $0x40;
	s11 =	simm.s32 $0x0;
	[sflag:s13] =	ssyncadd.s32 $0xFFFFF800  }
.LBB2_13:
0x2ec: {  	p0 =	sne.s32 s29, $0x1FC0;
	v1 =	vld [tilespmem:s11+$0x0];
	_ =	sdelay $0x2  }
.Ltmp5:
0x2ed: {  	(pc) =	sbr.rel @p0 .LBB2_13-.Ltmp5, $4  }
0x2ee: {  	_ = 	snop  }
0x2ef: {  	v2 =	vand.u32 $0xFFFF, v1;
	v1 =	vshrl.u32 v1, $0x10  }
0x2f0: {  	[tilespmem:s11+$0x800] =	vst v2;
	v1 =	vadd.s32 $0x4E20, v1  }
0x2f1: {  	[tilespmem:s11+$0x0] =	vst v1;
	s11 =	sshra.s32 s29, $0x2;
	s29 =	sadd.s32 $0x40, s29  }
0x2f2: {  	v1 =	vld [tilespmem:s11+$0x0];
	_ =	sdelay $0x4  }
0x2f3: {  	v2 =	vand.u32 $0xFFFF, v1;
	v1 =	vshrl.u32 v1, $0x10  }
0x2f4: {  	[tilespmem:s11+$0x800] =	vst v2;
	v1 =	vadd.s32 $0x4E20, v1  }
0x2f5: {  	[tilespmem:s11+$0x0] =	vst v1  }
0x2f6: {  	[tilespmem:s15], [sflag:$0x1] =	stream.indirect.gather [hbm4b:s1+s14], $0x80, s31, s14, $0xb8;
	[tilespmem:$0x1E000] =	vst v63  }
0x2f7: {  	_ = 	snop  }
0x2f8: {  	[tilespmem:s16], [sflag:$0x2] =	stream.indirect.gather [hbm4b:s1+s14], $0x80, s14, s14, $0xb8;
	[tilespmem:$0x1E000] =	vst v63  }
0x2f9: {  	_ =	swait.ge [sflag:s19], $0x4000  }
0x2fa: {  	[sflag:s19] =	ssyncset.done $0x0  }
0x2fb: {  	s29 =	simm.s32 $0x800;
	[sflag:s19] =	ssyncadd.s32 $0xFFFFC000  }
0x2fc: {  	[spmem:s18] =	stream.indirect.scatter.add.f32 [tilespmem:s15], [sflag:$0x3], $0x80, s29, s14, $0xb8;
	[tilespmem:$0x1E000] =	vst v63  }
0x2fd: {  	_ =	swait.ge [sflag:s13], $0x4000  }
0x2fe: {  	[sflag:s13] =	ssyncset.done $0x0  }
0x2ff: {  	s29 =	simm.s32 $0x100;
	[sflag:s13] =	ssyncadd.s32 $0xFFFFC000  }
0x300: {  	[tilespmem:s15], [sflag:$0x1] =	stream.indirect.gather [hbm4b:s1+s14], $0x80, s29, s14, $0xb8;
	[tilespmem:$0x1E000] =	vst v63  }
0x301: {  	_ =	swait.ge [sflag:s17], $0x4000  }
0x302: {  	[sflag:s17] =	ssyncset.done $0x0  }
0x303: {  	s29 =	simm.s32 $0x880;
	[sflag:s17] =	ssyncadd.s32 $0xFFFFC000  }
0x304: {  	[spmem:s18] =	stream.indirect.scatter.add.f32 [tilespmem:s16], [sflag:$0x3], $0x80, s29, s14, $0xb8;
	[tilespmem:$0x1E000] =	vst v63  }
0x305: {  	_ =	swait.ge [sflag:s13], $0x4000  }
0x306: {  	[sflag:s13] =	ssyncset.done $0x0  }
0x307: {  	s29 =	simm.s32 $0x180;
	[sflag:s13] =	ssyncadd.s32 $0xFFFFC000  }
0x308: {  	[tilespmem:s16], [sflag:$0x2] =	stream.indirect.gather [hbm4b:s1+s14], $0x80, s29, s14, $0xb8;
	[tilespmem:$0x1E000] =	vst v63  }
0x309: {  	_ =	swait.ge [sflag:s19], $0x4000  }
0x30a: {  	[sflag:s19] =	ssyncset.done $0x0  }
0x30b: {  	s29 =	simm.s32 $0x900;
	[sflag:s19] =	ssyncadd.s32 $0xFFFFC000  }
0x30c: {  	[spmem:s18] =	stream.indirect.scatter.add.f32 [tilespmem:s15], [sflag:$0x3], $0x80, s29, s14, $0xb8;
	[tilespmem:$0x1E000] =	vst v63  }
0x30d: {  	_ =	swait.ge [sflag:s13], $0x4000  }
0x30e: {  	[sflag:s13] =	ssyncset.done $0x0  }
0x30f: {  	s29 =	simm.s32 $0x200;
	[sflag:s13] =	ssyncadd.s32 $0xFFFFC000  }
0x310: {  	[tilespmem:s15], [sflag:$0x1] =	stream.indirect.gather [hbm4b:s1+s14], $0x80, s29, s14, $0xb8;
	[tilespmem:$0x1E000] =	vst v63  }
0x311: {  	_ =	swait.ge [sflag:s17], $0x4000  }
0x312: {  	[sflag:s17] =	ssyncset.done $0x0  }
0x313: {  	s29 =	simm.s32 $0x980;
	[sflag:s17] =	ssyncadd.s32 $0xFFFFC000  }
0x314: {  	[spmem:s18] =	stream.indirect.scatter.add.f32 [tilespmem:s16], [sflag:$0x3], $0x80, s29, s14, $0xb8;
	[tilespmem:$0x1E000] =	vst v63  }
0x315: {  	_ =	swait.ge [sflag:s13], $0x4000  }
0x316: {  	[sflag:s13] =	ssyncset.done $0x0  }
0x317: {  	s29 =	simm.s32 $0x280;
	[sflag:s13] =	ssyncadd.s32 $0xFFFFC000  }
0x318: {  	[tilespmem:s16], [sflag:$0x2] =	stream.indirect.gather [hbm4b:s1+s14], $0x80, s29, s14, $0xb8;
	[tilespmem:$0x1E000] =	vst v63  }
0x319: {  	_ =	swait.ge [sflag:s19], $0x4000  }
0x31a: {  	[sflag:s19] =	ssyncset.done $0x0  }
0x31b: {  	s29 =	simm.s32 $0xA00;
	[sflag:s19] =	ssyncadd.s32 $0xFFFFC000  }
0x31c: {  	[spmem:s18] =	stream.indirect.scatter.add.f32 [tilespmem:s15], [sflag:$0x3], $0x80, s29, s14, $0xb8;
	[tilespmem:$0x1E000] =	vst v63  }
0x31d: {  	_ =	swait.ge [sflag:s13], $0x4000  }
0x31e: {  	[sflag:s13] =	ssyncset.done $0x0  }
0x31f: {  	s29 =	simm.s32 $0x300;
	[sflag:s13] =	ssyncadd.s32 $0xFFFFC000  }
0x320: {  	[tilespmem:s15], [sflag:$0x1] =	stream.indirect.gather [hbm4b:s1+s14], $0x80, s29, s14, $0xb8;
	[tilespmem:$0x1E000] =	vst v63  }
0x321: {  	_ =	swait.ge [sflag:s17], $0x4000  }
0x322: {  	[sflag:s17] =	ssyncset.done $0x0  }
0x323: {  	s29 =	simm.s32 $0xA80;
	[sflag:s17] =	ssyncadd.s32 $0xFFFFC000  }
0x324: {  	[spmem:s18] =	stream.indirect.scatter.add.f32 [tilespmem:s16], [sflag:$0x3], $0x80, s29, s14, $0xb8;
	[tilespmem:$0x1E000] =	vst v63  }
0x325: {  	_ =	swait.ge [sflag:s13], $0x4000  }
0x326: {  	[sflag:s13] =	ssyncset.done $0x0  }
0x327: {  	s29 =	simm.s32 $0x380;
	[sflag:s13] =	ssyncadd.s32 $0xFFFFC000  }
0x328: {  	[tilespmem:s16], [sflag:$0x2] =	stream.indirect.gather [hbm4b:s1+s14], $0x80, s29, s14, $0xb8;
	[tilespmem:$0x1E000] =	vst v63  }
0x329: {  	_ =	swait.ge [sflag:s19], $0x4000  }
0x32a: {  	[sflag:s19] =	ssyncset.done $0x0  }
0x32b: {  	s29 =	simm.s32 $0xB00;
	[sflag:s19] =	ssyncadd.s32 $0xFFFFC000  }
0x32c: {  	[spmem:s18] =	stream.indirect.scatter.add.f32 [tilespmem:s15], [sflag:$0x3], $0x80, s29, s14, $0xb8;
	[tilespmem:$0x1E000] =	vst v63  }
0x32d: {  	_ =	swait.ge [sflag:s13], $0x4000  }
0x32e: {  	[sflag:s13] =	ssyncset.done $0x0  }
0x32f: {  	s29 =	simm.s32 $0x400;
	[sflag:s13] =	ssyncadd.s32 $0xFFFFC000  }
0x330: {  	[tilespmem:s15], [sflag:$0x1] =	stream.indirect.gather [hbm4b:s1+s14], $0x80, s29, s14, $0xb8;
	[tilespmem:$0x1E000] =	vst v63  }
0x331: {  	_ =	swait.ge [sflag:s17], $0x4000  }
0x332: {  	[sflag:s17] =	ssyncset.done $0x0  }
0x333: {  	s29 =	simm.s32 $0xB80;
	[sflag:s17] =	ssyncadd.s32 $0xFFFFC000  }
0x334: {  	[spmem:s18] =	stream.indirect.scatter.add.f32 [tilespmem:s16], [sflag:$0x3], $0x80, s29, s14, $0xb8;
	[tilespmem:$0x1E000] =	vst v63  }
0x335: {  	_ =	swait.ge [sflag:s13], $0x4000  }
0x336: {  	[sflag:s13] =	ssyncset.done $0x0  }
0x337: {  	[sflag:s13] =	ssyncadd.s32 $0xFFFFC000  }
0x338: {  	[tilespmem:s16], [sflag:$0x2] =	stream.indirect.gather [hbm4b:s1+s14], $0x80, s25, s14, $0xb8;
	[tilespmem:$0x1E000] =	vst v63  }
0x339: {  	_ =	swait.ge [sflag:s19], $0x4000  }
0x33a: {  	[sflag:s19] =	ssyncset.done $0x0  }
0x33b: {  	[sflag:s19] =	ssyncadd.s32 $0xFFFFC000  }
0x33c: {  	[spmem:s18] =	stream.indirect.scatter.add.f32 [tilespmem:s15], [sflag:$0x3], $0x80, s26, s14, $0xb8;
	[tilespmem:$0x1E000] =	vst v63  }
0x33d: {  	_ =	swait.ge [sflag:s13], $0x4000  }
0x33e: {  	[sflag:s13] =	ssyncset.done $0x0  }
0x33f: {  	[sflag:s13] =	ssyncadd.s32 $0xFFFFC000  }
0x340: {  	[tilespmem:s15], [sflag:$0x1] =	stream.indirect.gather [hbm4b:s1+s14], $0x80, s28, s14, $0xb8;
	[tilespmem:$0x1E000] =	vst v63  }
0x341: {  	_ =	swait.ge [sflag:s17], $0x4000  }
0x342: {  	[sflag:s17] =	ssyncset.done $0x0  }
0x343: {  	[sflag:s17] =	ssyncadd.s32 $0xFFFFC000  }
0x344: {  	[spmem:s18] =	stream.indirect.scatter.add.f32 [tilespmem:s16], [sflag:$0x3], $0x80, s21, s14, $0xb8;
	[tilespmem:$0x1E000] =	vst v63  }
0x345: {  	_ =	swait.ge [sflag:s13], $0x4000  }
0x346: {  	[sflag:s13] =	ssyncset.done $0x0  }
0x347: {  	[sflag:s13] =	ssyncadd.s32 $0xFFFFC000  }
0x348: {  	[tilespmem:s16], [sflag:$0x2] =	stream.indirect.gather [hbm4b:s1+s14], $0x80, s12, s14, $0xb8;
	[tilespmem:$0x1E000] =	vst v63  }
0x349: {  	_ =	swait.ge [sflag:s19], $0x4000  }
0x34a: {  	[sflag:s19] =	ssyncset.done $0x0  }
0x34b: {  	[sflag:s19] =	ssyncadd.s32 $0xFFFFC000  }
0x34c: {  	[spmem:s18] =	stream.indirect.scatter.add.f32 [tilespmem:s15], [sflag:$0x3], $0x80, s2, s14, $0xb8;
	[tilespmem:$0x1E000] =	vst v63  }
0x34d: {  	_ =	swait.ge [sflag:s13], $0x4000  }
0x34e: {  	[sflag:s13] =	ssyncset.done $0x0  }
0x34f: {  	[sflag:s13] =	ssyncadd.s32 $0xFFFFC000  }
0x350: {  	[tilespmem:s15], [sflag:$0x1] =	stream.indirect.gather [hbm4b:s1+s14], $0x80, s3, s14, $0xb8;
	[tilespmem:$0x1E000] =	vst v63  }
0x351: {  	_ =	swait.ge [sflag:s17], $0x4000  }
0x352: {  	[sflag:s17] =	ssyncset.done $0x0  }
0x353: {  	[sflag:s17] =	ssyncadd.s32 $0xFFFFC000  }
0x354: {  	[spmem:s18] =	stream.indirect.scatter.add.f32 [tilespmem:s16], [sflag:$0x3], $0x80, s20, s14, $0xb8;
	[tilespmem:$0x1E000] =	vst v63  }
0x355: {  	_ =	swait.ge [sflag:s13], $0x4000  }
0x356: {  	[sflag:s13] =	ssyncset.done $0x0  }
0x357: {  	[sflag:s13] =	ssyncadd.s32 $0xFFFFC000  }
0x358: {  	[tilespmem:s16], [sflag:$0x2] =	stream.indirect.gather [hbm4b:s1+s14], $0x80, s23, s14, $0xb8;
	[tilespmem:$0x1E000] =	vst v63  }
0x359: {  	_ =	swait.ge [sflag:s19], $0x4000  }
0x35a: {  	[sflag:s19] =	ssyncset.done $0x0  }
0x35b: {  	[sflag:s19] =	ssyncadd.s32 $0xFFFFC000  }
0x35c: {  	[spmem:s18] =	stream.indirect.scatter.add.f32 [tilespmem:s15], [sflag:$0x3], $0x80, s0, s14, $0xb8;
	[tilespmem:$0x1E000] =	vst v63  }
0x35d: {  	_ =	swait.ge [sflag:s13], $0x4000  }
0x35e: {  	[sflag:s13] =	ssyncset.done $0x0  }
0x35f: {  	[sflag:s13] =	ssyncadd.s32 $0xFFFFC000  }
0x360: {  	[tilespmem:s15], [sflag:$0x1] =	stream.indirect.gather [hbm4b:s1+s14], $0x80, s4, s14, $0xb8;
	[tilespmem:$0x1E000] =	vst v63  }
0x361: {  	_ =	swait.ge [sflag:s17], $0x4000  }
0x362: {  	[sflag:s17] =	ssyncset.done $0x0  }
0x363: {  	[sflag:s17] =	ssyncadd.s32 $0xFFFFC000  }
0x364: {  	[spmem:s18] =	stream.indirect.scatter.add.f32 [tilespmem:s16], [sflag:$0x3], $0x80, s5, s14, $0xb8;
	[tilespmem:$0x1E000] =	vst v63  }
0x365: {  	_ =	swait.ge [sflag:s13], $0x4000  }
0x366: {  	[sflag:s13] =	ssyncset.done $0x0  }
0x367: {  	[sflag:s13] =	ssyncadd.s32 $0xFFFFC000  }
0x368: {  	[tilespmem:s16], [sflag:$0x2] =	stream.indirect.gather [hbm4b:s1+s14], $0x80, s6, s14, $0xb8;
	[tilespmem:$0x1E000] =	vst v63  }
0x369: {  	_ =	swait.ge [sflag:s19], $0x4000  }
0x36a: {  	[sflag:s19] =	ssyncset.done $0x0  }
0x36b: {  	[sflag:s19] =	ssyncadd.s32 $0xFFFFC000  }
0x36c: {  	[spmem:s18] =	stream.indirect.scatter.add.f32 [tilespmem:s15], [sflag:$0x3], $0x80, s7, s14, $0xb8;
	[tilespmem:$0x1E000] =	vst v63  }
0x36d: {  	_ =	swait.ge [sflag:s13], $0x4000  }
0x36e: {  	[sflag:s13] =	ssyncset.done $0x0  }
0x36f: {  	[sflag:s13] =	ssyncadd.s32 $0xFFFFC000  }
0x370: {  	s10 =	sadd.s32 $0x1, s10;
	_ =	swait.ge [sflag:s17], $0x4000  }
0x371: {  	p0 =	sne.s32 s10, $0x5;
	[sflag:s17] =	ssyncset.done $0x0  }
.Ltmp6:
0x372: {  	[sflag:s17] =	ssyncadd.s32 $0xFFFFC000;
	(pc) =	sbr.rel @p0 .LBB2_12-.Ltmp6, $4  }
0x373: {  	[spmem:s18] =	stream.indirect.scatter.add.f32 [tilespmem:s16], [sflag:$0x3], $0x80, s8, s14, $0xb8;
	[tilespmem:$0x1E000] =	vst v63  }
0x374: {  	_ =	swait.ge [sflag:s13], $0x4000  }
0x375: {  	[sflag:s13] =	ssyncset.done $0x0  }
0x376: {  	[sflag:s13] =	ssyncadd.s32 $0xFFFFC000  }
0x377: {  	[bflag:$0x0] =	sbarrier.arrive $0xFFFF  }
0x378: {  	[tilespmem:s15], [sflag:$0x3] =	stream.linear.gather [spmem:s24], $0x4000, $0x38;
	[tilespmem:$0x1E000] =	vst v63  }
0x379: {  	_ =	swait.ge [sflag:s13], $0x4000  }
0x37a: {  	[sflag:s13] =	ssyncset.done $0x0  }
0x37b: {  	s9 =	rddreg [dreg:$0xf];
	[sflag:s13] =	ssyncadd.s32 $0xFFFFC000  }
0x37c: {  	[hbm4b:s9+s31] =	stream.linear.scatter [tilespmem:s15], [sflag:$0x3], $0x4000, $0x38;
	[tilespmem:$0x1E000] =	vst v63  }
0x37d: {  	_ =	swait.ge [sflag:s13], $0x4000  }
0x37e: {  	[sflag:s13] =	ssyncset.done $0x0  }
0x37f: {  	s29 =	rddreg [dreg:$0x16];
	[sflag:s13] =	ssyncadd.s32 $0xFFFFC000  }
0x380: {  	[tilespmem:s15], [sflag:$0x3] =	stream.linear.gather [spmem:s29], $0x4000, $0x38;
	[tilespmem:$0x1E000] =	vst v63  }
0x381: {  	_ =	swait.ge [sflag:s13], $0x4000  }
0x382: {  	[sflag:s13] =	ssyncset.done $0x0  }
0x383: {  	s10 =	rddreg [dreg:$0x10];
	[sflag:s13] =	ssyncadd.s32 $0xFFFFC000  }
0x384: {  	[hbm4b:s10+s31] =	stream.linear.scatter [tilespmem:s15], [sflag:$0x3], $0x4000, $0x38;
	[tilespmem:$0x1E000] =	vst v63  }
0x385: {  	_ =	swait.ge [sflag:s13], $0x4000  }
0x386: {  	[sflag:s13] =	ssyncset.done $0x0  }
0x387: {  	s11 =	rddreg [dreg:$0x17];
	[sflag:s13] =	ssyncadd.s32 $0xFFFFC000  }
0x388: {  	[tilespmem:s15], [sflag:$0x3] =	stream.linear.gather [spmem:s11], $0x4000, $0x38;
	[tilespmem:$0x1E000] =	vst v63  }
0x389: {  	_ =	swait.ge [sflag:s13], $0x4000  }
0x38a: {  	[sflag:s13] =	ssyncset.done $0x0  }
0x38b: {  	s24 =	rddreg [dreg:$0x11];
	[sflag:s13] =	ssyncadd.s32 $0xFFFFC000  }
0x38c: {  	[hbm4b:s24+s31] =	stream.linear.scatter [tilespmem:s15], [sflag:$0x3], $0x4000, $0x38;
	[tilespmem:$0x1E000] =	vst v63  }
0x38d: {  	_ =	swait.ge [sflag:s13], $0x4000  }
0x38e: {  	[sflag:s13] =	ssyncset.done $0x0  }
0x38f: {  	s29 =	rddreg [dreg:$0x18];
	[sflag:s13] =	ssyncadd.s32 $0xFFFFC000  }
0x390: {  	[tilespmem:s15], [sflag:$0x3] =	stream.linear.gather [spmem:s29], $0x4000, $0x38;
	[tilespmem:$0x1E000] =	vst v63  }
0x391: {  	_ =	swait.ge [sflag:s13], $0x4000  }
0x392: {  	[sflag:s13] =	ssyncset.done $0x0  }
0x393: {  	s10 =	rddreg [dreg:$0x12];
	[sflag:s13] =	ssyncadd.s32 $0xFFFFC000  }
0x394: {  	[hbm4b:s10+s31] =	stream.linear.scatter [tilespmem:s15], [sflag:$0x3], $0x4000, $0x38;
	[tilespmem:$0x1E000] =	vst v63  }
0x395: {  	_ =	swait.ge [sflag:s13], $0x4000  }
0x396: {  	[sflag:s13] =	ssyncset.done $0x0  }
0x397: {  	s11 =	rddreg [dreg:$0x19];
	[sflag:s13] =	ssyncadd.s32 $0xFFFFC000  }
0x398: {  	[tilespmem:s15], [sflag:$0x3] =	stream.linear.gather [spmem:s11], $0x4000, $0x38;
	[tilespmem:$0x1E000] =	vst v63  }
0x399: {  	_ =	swait.ge [sflag:s13], $0x4000  }
0x39a: {  	[sflag:s13] =	ssyncset.done $0x0  }
0x39b: {  	s24 =	rddreg [dreg:$0x13];
	[sflag:s13] =	ssyncadd.s32 $0xFFFFC000  }
0x39c: {  	[hbm4b:s24+s31] =	stream.linear.scatter [tilespmem:s15], [sflag:$0x3], $0x4000, $0x38;
	[tilespmem:$0x1E000] =	vst v63  }
0x39d: {  	_ =	swait.ge [sflag:s13], $0x4000  }
0x39e: {  	s10 =	sld [smem:$0x7E4];
	_ =	sdelay $0x2  }
0x39f: {  	s29 =	rddreg [dreg:$0x15];
	s10 =	sadd.s32 $0x1, s10  }
0x3a0: {  	p0 =	sne.s32 s10, s29  }
.Ltmp7:
0x3a1: {  	_ = 	snop;
	(pc) =	sbr.rel @p0 .LBB2_1-.Ltmp7, $3  }
0x3a2: {  	_ =	sdelay $0x1  }
0x3a3: {  	[sflag:s13] =	ssyncset.done $0x0  }
0x3a4: {  	[sflag:s13] =	ssyncadd.s32 $0xFFFFC000  }
0x3a5: {  	_ =	sfence.sel $0x180000  }
0x3a6: {  	[bflag:$0x0] =	sbarrier.arrive $0xFFFF  }
0x3a7: {  	_ =	strace $0x90000047  }
0x3a8: {  	s0 =	stileid.u32;
	[bflag:$0x2] =	sbarrier.arrive $0xFFFF  }
0x3a9: {  	p0 =	sne.s32 s0, $0x0;
	s0 =	rddreg [dreg:$0x4]  }
0x3aa: {  	s0 =	sadd.s32 @!p0 $0x100000, s0  }
0x3ab: {  	[sflag:s0] =	ssyncadd.tile.s32 @!p0 $0x1;
	_ =	shalt  }
.Lfunc_end2:
_tile_overlayer_lowered:
.L_overlay_start_2:
0x3ac: {  	(tag) =	ssettag $0x2  }
0x3ad: {  	s0 =	rddreg [dreg:$0x0];
	s2 =	stileid.u32  }
0x3ae: {  	s1 =	rddreg [dreg:$0x1];
	p0 =	sne.s32 s2, $0x0  }
0x3af: {  	s3 =	rddreg [dreg:$0x2];
	[bflag:$0x3] =	sbarrier.arrive $0xFFFF;
	s2 =	simm.s32 @!p0 $0x1C03  }
0x3b0: {  	[timem:s3], [sflag:s2] =	dma.local @!p0 [hbm:s0], s1  }
0x3b1: {  	s0 =	simm.s32 @!p0 $0x3  }
0x3b2: {  	_ =	swait.ge @!p0 [sflag:s0], s1  }
0x3b3: {  	s1 =	ssub.s32 @!p0 $0x0, s1;
	[sflag:s0] =	ssyncset.done @!p0 $0x0  }
0x3b4: {  	[sflag:s0] =	ssyncadd.s32 @!p0 s1  }
0x3b5: {  	[bflag:$0x3] =	sbarrier.arrive $0xFFFF  }
0x3b6: {  	_ =	shalt  }

</sc_bundles>
